<compile_context>
chip_gen: v7x
topology: tpu7x:2x2x1
jax: 0.10.2.dev20260603
libtpu: 0.0.44.dev20260713+nightly
codegen_flags: <defaults>
</compile_context>

<pallas_src>
import functools

import jax
import jax.numpy as jnp
from jax import lax
from jax.experimental import pallas as pl
from jax.experimental.pallas import tpu as pltpu
from jax.experimental.pallas import tpu_sc as plsc

NC = 2
NS = 16
NW = NC * NS
B = 128


def _sc_segment_sum(x, edges, n_pad, full_ct, last_ct):
    n_nodes, d = x.shape
    rows_pt = n_pad // NS
    rchunk = 40
    nrc = rows_pt // rchunk
    half = full_ct // 2
    n_edges = edges.shape[1]
    assert full_ct % 2 == 0 and last_ct % 2 == 0 and 0 < last_ct <= half
    assert rows_pt % rchunk == 0 and d % 16 == 0 and rchunk % 8 == 0

    mesh = plsc.VectorSubcoreMesh(core_axis_name="c", subcore_axis_name="s")

    @functools.partial(
        pl.kernel,
        mesh=mesh,
        out_type=jax.ShapeDtypeStruct((NC, n_pad, d), jnp.float32),
        scratch_types=[
            pltpu.VMEM((2, half * B), jnp.int32),
            pltpu.VMEM((B, d), jnp.float32),
            pltpu.VMEM((B, d), jnp.float32),
            pltpu.VMEM_SHARED((n_pad, d), jnp.float32),
            pltpu.SemaphoreType.DMA,
            pltpu.SemaphoreType.DMA,
            pltpu.SemaphoreType.DMA,
            pltpu.SemaphoreType.DMA,
            pltpu.SemaphoreType.DMA,
        ],
    )
    def k(x_hbm, edges_hbm, out_hbm,
          ev, rows_a, rows_b, acc, sem_ga, sem_gb, sem_sa, sem_sb, sem_ix):
        c = lax.axis_index("c")
        s = lax.axis_index("s")
        wid = s * NC + c
        ebase = jnp.minimum(wid * (full_ct * B), n_edges - half * B)
        bounce = rows_a.at[pl.ds(0, rchunk)]

        def stage_indices(j0):
            return pltpu.async_copy(
                edges_hbm.at[pl.ds(0, 2), pl.ds(ebase + j0 * B, half * B)],
                ev, sem_ix)

        cp0 = stage_indices(0)

        zeros = jnp.zeros((16,), jnp.float32)

        def zrow(i, carry):
            def zcol(j, carry2):
                rows_a[i, pl.ds(j * 16, 16)] = zeros
                return carry2
            return lax.fori_loop(0, d // 16, zcol, carry)

        lax.fori_loop(0, rchunk, zrow, 0)
        row0 = s * rows_pt
        for r in range(nrc):
            pltpu.sync_copy(bounce, acc.at[pl.ds(row0 + r * rchunk, rchunk)])
        cp0.wait()
        plsc.subcore_barrier()

        def src_ix(j):
            return ev.at[0, pl.ds(j * B, B)]

        def dst_ix(j):
            return ev.at[1, pl.ds(j * B, B)]

        def gather(j, buf, sem):
            pltpu.async_copy(x_hbm.at[src_ix(j)], buf, sem)

        def wait_gather(j, buf, sem):
            pltpu.make_async_copy(x_hbm.at[src_ix(j)], buf, sem).wait()

        def scatter(j, buf):
            pltpu.sync_copy(buf, acc.at[dst_ix(j)], add=True)

        def run_stage(nst, joff=0):
            gather(joff + 0, rows_a, sem_ga)
            gather(joff + 1, rows_b, sem_gb)

            def body(m, carry):
                j = joff + 2 * m
                wait_gather(j, rows_a, sem_ga)
                scatter(j, rows_a)
                gather(j + 2, rows_a, sem_ga)
                wait_gather(j + 1, rows_b, sem_gb)
                scatter(j + 1, rows_b)
                gather(j + 3, rows_b, sem_gb)
                return carry

            lax.fori_loop(0, nst // 2 - 1, body, 0)
            j = joff + nst - 2
            wait_gather(j, rows_a, sem_ga)
            scatter(j, rows_a)
            wait_gather(j + 1, rows_b, sem_gb)
            scatter(j + 1, rows_b)

        @pl.when(wid != NW - 1)
        def _full():
            run_stage(half)
            stage_indices(half).wait()
            run_stage(half)

        @pl.when(wid == NW - 1)
        def _short():
            run_stage(last_ct, joff=half - last_ct)

        plsc.subcore_barrier()

        pltpu.sync_copy(acc.at[pl.ds(row0, rows_pt)],
                        out_hbm.at[c, pl.ds(row0, rows_pt)])

    return k(x, edges)


def _tc_transform(partials, w, n_nodes):
    d = partials.shape[2]
    r = 2000
    grid = (n_nodes // r,)

    def body(p_ref, w_ref, o_ref):
        o_ref[...] = jnp.dot(p_ref[0] + p_ref[1], w_ref[...],
                             preferred_element_type=jnp.float32)

    return pl.pallas_call(
        body,
        grid=grid,
        in_specs=[
            pl.BlockSpec((2, r, d), lambda i: (0, i, 0)),
            pl.BlockSpec((d, d), lambda i: (0, 0)),
        ],
        out_specs=pl.BlockSpec((r, d), lambda i: (i, 0)),
        out_shape=jax.ShapeDtypeStruct((n_nodes, d), jnp.float32),
    )(partials, w)


def kernel(x, edge_index, W):
    n_nodes = x.shape[0]
    n_edges = edge_index.shape[1]
    n_pad = ((n_nodes + NS * 128 - 1) // (NS * 128)) * (NS * 128)
    nchunks = n_edges // B
    assert n_edges % B == 0
    full_ct = -(-nchunks // NW)
    if full_ct % 2:
        full_ct += 1
    last_ct = nchunks - (NW - 1) * full_ct
    assert 0 < last_ct <= full_ct and last_ct % 2 == 0
    edges = edge_index.astype(jnp.int32)
    partials = _sc_segment_sum(x, edges, n_pad, full_ct, last_ct)
    return _tc_transform(partials, W, n_nodes)

# --- scband reference (transcript-rebuilt; emitter-appended) ---
"""Pipeline reference for scband-gnn-42666205119254 (READ-ONLY COPY).

The authoritative reference and input builder live on the scoring server;
editing this copy changes nothing except your own understanding.
"""

import jax, jax.numpy as jnp
import numpy as np


def setup_inputs(seed: int = 0) -> dict:
    key = jax.random.key(seed)
    k1, k2, k3 = jax.random.split(key, 3)
    n_nodes = 10000
    n_edges = 320000
    d = 128
    x = jax.random.normal(k1, (n_nodes, d), dtype=jnp.float32)
    edge_index = jax.random.randint(k2, (2, n_edges), 0, n_nodes, dtype=jnp.int64)
    W = jax.random.normal(k3, (d, d), dtype=jnp.float32) * (1.0 / np.sqrt(d))
    return {"x": x, "edge_index": edge_index, "W": W}


def reference(x, edge_index, W):
    # Heterogeneous GNN collapsed to a single node/edge type:
    # x_dict comes from embedding weights (here: x), then one message-passing
    # conv with aggr='sum': gather source node features along edges,
    # scatter-add into destination nodes, then linear transform.
    src = edge_index[0]
    dst = edge_index[1]
    msgs = jnp.take(x, src, axis=0)                       # gather  [E, d]
    agg = jax.ops.segment_sum(msgs, dst, num_segments=x.shape[0])  # scatter-add [N, d]
    out = agg @ W                                          # dense transform
    return out

if __name__ == "__main__":
    import jax
    _d = setup_inputs()
    print(jax.jit(kernel)(*tuple(_d.values())))

</pallas_src>

<mosaic_0001>
#map = affine_map<(d0, d1) -> (0, 0)>
#map1 = affine_map<(d0, d1) -> (0, 0, 0)>
module attributes {stable_mosaic.version = 14 : i64} {
  func.func @k(%arg0: i32, %arg1: i32, %arg2: memref<10000x128xf32, #tpu.memory_space<hbm>>, %arg3: memref<2x320000xi32, #tpu.memory_space<hbm>>, %arg4: memref<2x10240x128xf32, #tpu.memory_space<hbm>>, %arg5: memref<2x5120xi32, #tpu.memory_space<vmem>>, %arg6: memref<128x128xf32, #tpu.memory_space<vmem>>, %arg7: memref<128x128xf32, #tpu.memory_space<vmem>>, %arg8: memref<10240x128xf32, #tpu.memory_space<vmem_shared>>, %arg9: memref<!tpu.dma_semaphore, #tpu.memory_space<semaphore_mem>>, %arg10: memref<!tpu.dma_semaphore, #tpu.memory_space<semaphore_mem>>, %arg11: memref<!tpu.dma_semaphore, #tpu.memory_space<semaphore_mem>>, %arg12: memref<!tpu.dma_semaphore, #tpu.memory_space<semaphore_mem>>, %arg13: memref<!tpu.dma_semaphore, #tpu.memory_space<semaphore_mem>>) attributes {dimension_semantics = [#tpu.dimension_semantics<core_parallel>, #tpu.dimension_semantics<subcore_parallel>], iteration_bounds = array<i64: 2, 16>, scalar_prefetch = 0 : i64, scratch_operands = 9 : i64, tpu.core_type = #tpu.core_type<sc_vector_subcore>, window_params = [{transform_indices = #map}, {transform_indices = #map}, {transform_indices = #map1}]} {
    %mul3A = arith.constant 2 : i32
    %mul3A_0 = arith.muli %arg1, %mul3A : i32
    %add3A = arith.addi %mul3A_0, %arg0 : i32
    %mul3A_1 = arith.constant 10240 : i32
    %mul3A_2 = arith.muli %add3A, %mul3A_1 : i32
    %min3A = arith.constant 314880 : i32
    %min3A_3 = arith.minsi %mul3A_2, %min3A : i32
    %add3A_4 = arith.constant 0 : i32
    %add3A_5 = arith.addi %min3A_3, %add3A_4 : i32
    %dma_start3A = arith.constant 0 : i32
    %dma_start3A_6 = tpu.memref_slice %arg3[%dma_start3A, %add3A_5] : memref<2x320000xi32, #tpu.memory_space<hbm>> -> memref<2x5120xi32, #tpu.memory_space<hbm>>
    %dma_start3A_7 = arith.constant 0 : i32
    %dma_start3A_8 = tpu.memref_slice %arg3[%dma_start3A_7, %add3A_5] : memref<2x320000xi32, #tpu.memory_space<hbm>> -> memref<2x5120xi32, #tpu.memory_space<hbm>>
    tpu.enqueue_dma source(%dma_start3A_8 : memref<2x5120xi32, #tpu.memory_space<hbm>>) target(%arg5 : memref<2x5120xi32, #tpu.memory_space<vmem>>) target_semaphore(%arg13 : memref<!tpu.dma_semaphore, #tpu.memory_space<semaphore_mem>>)
    %broadcast_in_dim3A = arith.constant 0.000000e+00 : f32
    %broadcast_in_dim3A_9 = vector.broadcast %broadcast_in_dim3A : f32 to vector<16xf32>
    %scan3A = arith.constant 0 : i32
    %scan3A_10 = arith.constant 0 : i32
    %scan3A_11 = arith.constant 40 : i32
    %scan3A_12 = arith.addi %scan3A_10, %scan3A_11 : i32
    %scan3A_13 = arith.constant 1 : i32
    scf.for %scan3A_59 = %scan3A_10 to %scan3A_12 step %scan3A_13  : i32 {
      %scan3A_60 = arith.constant 0 : i32
      %scan3A_61 = arith.constant 8 : i32
      %scan3A_62 = arith.addi %scan3A_60, %scan3A_61 : i32
      %scan3A_63 = arith.constant 1 : i32
      scf.for %scan3A_65 = %scan3A_60 to %scan3A_62 step %scan3A_63  : i32 {
        %mul3A_66 = arith.constant 16 : i32
        %mul3A_67 = arith.muli %scan3A_65, %mul3A_66 : i32
        %swap3A = arith.index_cast %scan3A_59 : i32 to index
        %swap3A_68 = arith.index_cast %mul3A_67 : i32 to index
        %swap3A_69 = tpu.vector_load %arg6[%swap3A, %swap3A_68] {strides = array<i32>} : memref<128x128xf32, #tpu.memory_space<vmem>>, vector<1x16xf32>,
        %swap3A_70 = vector.shape_cast %swap3A_69 : vector<1x16xf32> to vector<16xf32>
        %swap3A_71 = vector.shape_cast %broadcast_in_dim3A_9 : vector<16xf32> to vector<1x16xf32>
        tpu.vector_store %arg6[%swap3A, %swap3A_68], %swap3A_71 {strides = array<i32>} : memref<128x128xf32, #tpu.memory_space<vmem>>, vector<1x16xf32>,
      }
      %scan3A_64 = arith.constant 8 : i32
    }
    %scan3A_14 = arith.constant 40 : i32
    %mul3A_15 = arith.constant 640 : i32
    %mul3A_16 = arith.muli %arg1, %mul3A_15 : i32
    %add3A_17 = arith.constant 0 : i32
    %add3A_18 = arith.addi %mul3A_16, %add3A_17 : i32
    "tpu.region"() ({
      %run_scoped3A = tpu.sem_alloc : memref<!tpu.dma_semaphore, #tpu.memory_space<semaphore_mem>>
      %dma_start3A_59 = arith.constant 0 : i32
      %dma_start3A_60 = arith.constant 0 : i32
      %dma_start3A_61 = tpu.memref_slice %arg6[%dma_start3A_59, %dma_start3A_60] : memref<128x128xf32, #tpu.memory_space<vmem>> -> memref<40x128xf32, #tpu.memory_space<vmem>>
      %dma_start3A_62 = arith.constant 0 : i32
      %dma_start3A_63 = tpu.memref_slice %arg8[%add3A_18, %dma_start3A_62] : memref<10240x128xf32, #tpu.memory_space<vmem_shared>> -> memref<40x128xf32, #tpu.memory_space<vmem_shared>>
      %dma_start3A_64 = arith.constant 0 : i32
      %dma_start3A_65 = tpu.memref_slice %arg8[%add3A_18, %dma_start3A_64] : memref<10240x128xf32, #tpu.memory_space<vmem_shared>> -> memref<40x128xf32, #tpu.memory_space<vmem_shared>>
      %dma_start3A_66 = arith.constant 0 : i32
      %dma_start3A_67 = arith.constant 0 : i32
      %dma_start3A_68 = tpu.memref_slice %arg6[%dma_start3A_66, %dma_start3A_67] : memref<128x128xf32, #tpu.memory_space<vmem>> -> memref<40x128xf32, #tpu.memory_space<vmem>>
      tpu.enqueue_dma source(%dma_start3A_68 : memref<40x128xf32, #tpu.memory_space<vmem>>) target(%dma_start3A_65 : memref<40x128xf32, #tpu.memory_space<vmem_shared>>) target_semaphore(%run_scoped3A : memref<!tpu.dma_semaphore, #tpu.memory_space<semaphore_mem>>)
      %dma_wait3A_69 = arith.constant 0 : i32
      %dma_wait3A_70 = arith.constant 0 : i32
      %dma_wait3A_71 = tpu.memref_slice %arg6[%dma_wait3A_69, %dma_wait3A_70] : memref<128x128xf32, #tpu.memory_space<vmem>> -> memref<40x128xf32, #tpu.memory_space<vmem>>
      %dma_wait3A_72 = arith.constant 0 : i32
      %dma_wait3A_73 = tpu.memref_slice %arg8[%add3A_18, %dma_wait3A_72] : memref<10240x128xf32, #tpu.memory_space<vmem_shared>> -> memref<40x128xf32, #tpu.memory_space<vmem_shared>>
      %dma_wait3A_74 = arith.constant 0 : i32
      %dma_wait3A_75 = tpu.memref_slice %arg8[%add3A_18, %dma_wait3A_74] : memref<10240x128xf32, #tpu.memory_space<vmem_shared>> -> memref<40x128xf32, #tpu.memory_space<vmem_shared>>
      %dma_wait3A_76 = arith.constant 0 : i32
      %dma_wait3A_77 = arith.constant 0 : i32
      %dma_wait3A_78 = tpu.memref_slice %arg6[%dma_wait3A_76, %dma_wait3A_77] : memref<128x128xf32, #tpu.memory_space<vmem>> -> memref<40x128xf32, #tpu.memory_space<vmem>>
      tpu.wait_dma2 semaphore(%run_scoped3A : memref<!tpu.dma_semaphore, #tpu.memory_space<semaphore_mem>>) src(%dma_wait3A_78 : memref<40x128xf32, #tpu.memory_space<vmem>>) dst(%dma_wait3A_75 : memref<40x128xf32, #tpu.memory_space<vmem_shared>>)
      tpu.yield
    }) : () -> ()
    %add3A_19 = arith.constant 40 : i32
    %add3A_20 = arith.addi %mul3A_16, %add3A_19 : i32
    "tpu.region"() ({
      %run_scoped3A = tpu.sem_alloc : memref<!tpu.dma_semaphore, #tpu.memory_space<semaphore_mem>>
      %dma_start3A_59 = arith.constant 0 : i32
      %dma_start3A_60 = arith.constant 0 : i32
      %dma_start3A_61 = tpu.memref_slice %arg6[%dma_start3A_59, %dma_start3A_60] : memref<128x128xf32, #tpu.memory_space<vmem>> -> memref<40x128xf32, #tpu.memory_space<vmem>>
      %dma_start3A_62 = arith.constant 0 : i32
      %dma_start3A_63 = tpu.memref_slice %arg8[%add3A_20, %dma_start3A_62] : memref<10240x128xf32, #tpu.memory_space<vmem_shared>> -> memref<40x128xf32, #tpu.memory_space<vmem_shared>>
      %dma_start3A_64 = arith.constant 0 : i32
      %dma_start3A_65 = tpu.memref_slice %arg8[%add3A_20, %dma_start3A_64] : memref<10240x128xf32, #tpu.memory_space<vmem_shared>> -> memref<40x128xf32, #tpu.memory_space<vmem_shared>>
      %dma_start3A_66 = arith.constant 0 : i32
      %dma_start3A_67 = arith.constant 0 : i32
      %dma_start3A_68 = tpu.memref_slice %arg6[%dma_start3A_66, %dma_start3A_67] : memref<128x128xf32, #tpu.memory_space<vmem>> -> memref<40x128xf32, #tpu.memory_space<vmem>>
      tpu.enqueue_dma source(%dma_start3A_68 : memref<40x128xf32, #tpu.memory_space<vmem>>) target(%dma_start3A_65 : memref<40x128xf32, #tpu.memory_space<vmem_shared>>) target_semaphore(%run_scoped3A : memref<!tpu.dma_semaphore, #tpu.memory_space<semaphore_mem>>)
      %dma_wait3A_69 = arith.constant 0 : i32
      %dma_wait3A_70 = arith.constant 0 : i32
      %dma_wait3A_71 = tpu.memref_slice %arg6[%dma_wait3A_69, %dma_wait3A_70] : memref<128x128xf32, #tpu.memory_space<vmem>> -> memref<40x128xf32, #tpu.memory_space<vmem>>
      %dma_wait3A_72 = arith.constant 0 : i32
      %dma_wait3A_73 = tpu.memref_slice %arg8[%add3A_20, %dma_wait3A_72] : memref<10240x128xf32, #tpu.memory_space<vmem_shared>> -> memref<40x128xf32, #tpu.memory_space<vmem_shared>>
      %dma_wait3A_74 = arith.constant 0 : i32
      %dma_wait3A_75 = tpu.memref_slice %arg8[%add3A_20, %dma_wait3A_74] : memref<10240x128xf32, #tpu.memory_space<vmem_shared>> -> memref<40x128xf32, #tpu.memory_space<vmem_shared>>
      %dma_wait3A_76 = arith.constant 0 : i32
      %dma_wait3A_77 = arith.constant 0 : i32
      %dma_wait3A_78 = tpu.memref_slice %arg6[%dma_wait3A_76, %dma_wait3A_77] : memref<128x128xf32, #tpu.memory_space<vmem>> -> memref<40x128xf32, #tpu.memory_space<vmem>>
      tpu.wait_dma2 semaphore(%run_scoped3A : memref<!tpu.dma_semaphore, #tpu.memory_space<semaphore_mem>>) src(%dma_wait3A_78 : memref<40x128xf32, #tpu.memory_space<vmem>>) dst(%dma_wait3A_75 : memref<40x128xf32, #tpu.memory_space<vmem_shared>>)
      tpu.yield
    }) : () -> ()
    %add3A_21 = arith.constant 80 : i32
    %add3A_22 = arith.addi %mul3A_16, %add3A_21 : i32
    "tpu.region"() ({
      %run_scoped3A = tpu.sem_alloc : memref<!tpu.dma_semaphore, #tpu.memory_space<semaphore_mem>>
      %dma_start3A_59 = arith.constant 0 : i32
      %dma_start3A_60 = arith.constant 0 : i32
      %dma_start3A_61 = tpu.memref_slice %arg6[%dma_start3A_59, %dma_start3A_60] : memref<128x128xf32, #tpu.memory_space<vmem>> -> memref<40x128xf32, #tpu.memory_space<vmem>>
      %dma_start3A_62 = arith.constant 0 : i32
      %dma_start3A_63 = tpu.memref_slice %arg8[%add3A_22, %dma_start3A_62] : memref<10240x128xf32, #tpu.memory_space<vmem_shared>> -> memref<40x128xf32, #tpu.memory_space<vmem_shared>>
      %dma_start3A_64 = arith.constant 0 : i32
      %dma_start3A_65 = tpu.memref_slice %arg8[%add3A_22, %dma_start3A_64] : memref<10240x128xf32, #tpu.memory_space<vmem_shared>> -> memref<40x128xf32, #tpu.memory_space<vmem_shared>>
      %dma_start3A_66 = arith.constant 0 : i32
      %dma_start3A_67 = arith.constant 0 : i32
      %dma_start3A_68 = tpu.memref_slice %arg6[%dma_start3A_66, %dma_start3A_67] : memref<128x128xf32, #tpu.memory_space<vmem>> -> memref<40x128xf32, #tpu.memory_space<vmem>>
      tpu.enqueue_dma source(%dma_start3A_68 : memref<40x128xf32, #tpu.memory_space<vmem>>) target(%dma_start3A_65 : memref<40x128xf32, #tpu.memory_space<vmem_shared>>) target_semaphore(%run_scoped3A : memref<!tpu.dma_semaphore, #tpu.memory_space<semaphore_mem>>)
      %dma_wait3A_69 = arith.constant 0 : i32
      %dma_wait3A_70 = arith.constant 0 : i32
      %dma_wait3A_71 = tpu.memref_slice %arg6[%dma_wait3A_69, %dma_wait3A_70] : memref<128x128xf32, #tpu.memory_space<vmem>> -> memref<40x128xf32, #tpu.memory_space<vmem>>
      %dma_wait3A_72 = arith.constant 0 : i32
      %dma_wait3A_73 = tpu.memref_slice %arg8[%add3A_22, %dma_wait3A_72] : memref<10240x128xf32, #tpu.memory_space<vmem_shared>> -> memref<40x128xf32, #tpu.memory_space<vmem_shared>>
      %dma_wait3A_74 = arith.constant 0 : i32
      %dma_wait3A_75 = tpu.memref_slice %arg8[%add3A_22, %dma_wait3A_74] : memref<10240x128xf32, #tpu.memory_space<vmem_shared>> -> memref<40x128xf32, #tpu.memory_space<vmem_shared>>
      %dma_wait3A_76 = arith.constant 0 : i32
      %dma_wait3A_77 = arith.constant 0 : i32
      %dma_wait3A_78 = tpu.memref_slice %arg6[%dma_wait3A_76, %dma_wait3A_77] : memref<128x128xf32, #tpu.memory_space<vmem>> -> memref<40x128xf32, #tpu.memory_space<vmem>>
      tpu.wait_dma2 semaphore(%run_scoped3A : memref<!tpu.dma_semaphore, #tpu.memory_space<semaphore_mem>>) src(%dma_wait3A_78 : memref<40x128xf32, #tpu.memory_space<vmem>>) dst(%dma_wait3A_75 : memref<40x128xf32, #tpu.memory_space<vmem_shared>>)
      tpu.yield
    }) : () -> ()
    %add3A_23 = arith.constant 120 : i32
    %add3A_24 = arith.addi %mul3A_16, %add3A_23 : i32
    "tpu.region"() ({
      %run_scoped3A = tpu.sem_alloc : memref<!tpu.dma_semaphore, #tpu.memory_space<semaphore_mem>>
      %dma_start3A_59 = arith.constant 0 : i32
      %dma_start3A_60 = arith.constant 0 : i32
      %dma_start3A_61 = tpu.memref_slice %arg6[%dma_start3A_59, %dma_start3A_60] : memref<128x128xf32, #tpu.memory_space<vmem>> -> memref<40x128xf32, #tpu.memory_space<vmem>>
      %dma_start3A_62 = arith.constant 0 : i32
      %dma_start3A_63 = tpu.memref_slice %arg8[%add3A_24, %dma_start3A_62] : memref<10240x128xf32, #tpu.memory_space<vmem_shared>> -> memref<40x128xf32, #tpu.memory_space<vmem_shared>>
      %dma_start3A_64 = arith.constant 0 : i32
      %dma_start3A_65 = tpu.memref_slice %arg8[%add3A_24, %dma_start3A_64] : memref<10240x128xf32, #tpu.memory_space<vmem_shared>> -> memref<40x128xf32, #tpu.memory_space<vmem_shared>>
      %dma_start3A_66 = arith.constant 0 : i32
      %dma_start3A_67 = arith.constant 0 : i32
      %dma_start3A_68 = tpu.memref_slice %arg6[%dma_start3A_66, %dma_start3A_67] : memref<128x128xf32, #tpu.memory_space<vmem>> -> memref<40x128xf32, #tpu.memory_space<vmem>>
      tpu.enqueue_dma source(%dma_start3A_68 : memref<40x128xf32, #tpu.memory_space<vmem>>) target(%dma_start3A_65 : memref<40x128xf32, #tpu.memory_space<vmem_shared>>) target_semaphore(%run_scoped3A : memref<!tpu.dma_semaphore, #tpu.memory_space<semaphore_mem>>)
      %dma_wait3A_69 = arith.constant 0 : i32
      %dma_wait3A_70 = arith.constant 0 : i32
      %dma_wait3A_71 = tpu.memref_slice %arg6[%dma_wait3A_69, %dma_wait3A_70] : memref<128x128xf32, #tpu.memory_space<vmem>> -> memref<40x128xf32, #tpu.memory_space<vmem>>
      %dma_wait3A_72 = arith.constant 0 : i32
      %dma_wait3A_73 = tpu.memref_slice %arg8[%add3A_24, %dma_wait3A_72] : memref<10240x128xf32, #tpu.memory_space<vmem_shared>> -> memref<40x128xf32, #tpu.memory_space<vmem_shared>>
      %dma_wait3A_74 = arith.constant 0 : i32
      %dma_wait3A_75 = tpu.memref_slice %arg8[%add3A_24, %dma_wait3A_74] : memref<10240x128xf32, #tpu.memory_space<vmem_shared>> -> memref<40x128xf32, #tpu.memory_space<vmem_shared>>
      %dma_wait3A_76 = arith.constant 0 : i32
      %dma_wait3A_77 = arith.constant 0 : i32
      %dma_wait3A_78 = tpu.memref_slice %arg6[%dma_wait3A_76, %dma_wait3A_77] : memref<128x128xf32, #tpu.memory_space<vmem>> -> memref<40x128xf32, #tpu.memory_space<vmem>>
      tpu.wait_dma2 semaphore(%run_scoped3A : memref<!tpu.dma_semaphore, #tpu.memory_space<semaphore_mem>>) src(%dma_wait3A_78 : memref<40x128xf32, #tpu.memory_space<vmem>>) dst(%dma_wait3A_75 : memref<40x128xf32, #tpu.memory_space<vmem_shared>>)
      tpu.yield
    }) : () -> ()
    %add3A_25 = arith.constant 160 : i32
    %add3A_26 = arith.addi %mul3A_16, %add3A_25 : i32
    "tpu.region"() ({
      %run_scoped3A = tpu.sem_alloc : memref<!tpu.dma_semaphore, #tpu.memory_space<semaphore_mem>>
      %dma_start3A_59 = arith.constant 0 : i32
      %dma_start3A_60 = arith.constant 0 : i32
      %dma_start3A_61 = tpu.memref_slice %arg6[%dma_start3A_59, %dma_start3A_60] : memref<128x128xf32, #tpu.memory_space<vmem>> -> memref<40x128xf32, #tpu.memory_space<vmem>>
      %dma_start3A_62 = arith.constant 0 : i32
      %dma_start3A_63 = tpu.memref_slice %arg8[%add3A_26, %dma_start3A_62] : memref<10240x128xf32, #tpu.memory_space<vmem_shared>> -> memref<40x128xf32, #tpu.memory_space<vmem_shared>>
      %dma_start3A_64 = arith.constant 0 : i32
      %dma_start3A_65 = tpu.memref_slice %arg8[%add3A_26, %dma_start3A_64] : memref<10240x128xf32, #tpu.memory_space<vmem_shared>> -> memref<40x128xf32, #tpu.memory_space<vmem_shared>>
      %dma_start3A_66 = arith.constant 0 : i32
      %dma_start3A_67 = arith.constant 0 : i32
      %dma_start3A_68 = tpu.memref_slice %arg6[%dma_start3A_66, %dma_start3A_67] : memref<128x128xf32, #tpu.memory_space<vmem>> -> memref<40x128xf32, #tpu.memory_space<vmem>>
      tpu.enqueue_dma source(%dma_start3A_68 : memref<40x128xf32, #tpu.memory_space<vmem>>) target(%dma_start3A_65 : memref<40x128xf32, #tpu.memory_space<vmem_shared>>) target_semaphore(%run_scoped3A : memref<!tpu.dma_semaphore, #tpu.memory_space<semaphore_mem>>)
      %dma_wait3A_69 = arith.constant 0 : i32
      %dma_wait3A_70 = arith.constant 0 : i32
      %dma_wait3A_71 = tpu.memref_slice %arg6[%dma_wait3A_69, %dma_wait3A_70] : memref<128x128xf32, #tpu.memory_space<vmem>> -> memref<40x128xf32, #tpu.memory_space<vmem>>
      %dma_wait3A_72 = arith.constant 0 : i32
      %dma_wait3A_73 = tpu.memref_slice %arg8[%add3A_26, %dma_wait3A_72] : memref<10240x128xf32, #tpu.memory_space<vmem_shared>> -> memref<40x128xf32, #tpu.memory_space<vmem_shared>>
      %dma_wait3A_74 = arith.constant 0 : i32
      %dma_wait3A_75 = tpu.memref_slice %arg8[%add3A_26, %dma_wait3A_74] : memref<10240x128xf32, #tpu.memory_space<vmem_shared>> -> memref<40x128xf32, #tpu.memory_space<vmem_shared>>
      %dma_wait3A_76 = arith.constant 0 : i32
      %dma_wait3A_77 = arith.constant 0 : i32
      %dma_wait3A_78 = tpu.memref_slice %arg6[%dma_wait3A_76, %dma_wait3A_77] : memref<128x128xf32, #tpu.memory_space<vmem>> -> memref<40x128xf32, #tpu.memory_space<vmem>>
      tpu.wait_dma2 semaphore(%run_scoped3A : memref<!tpu.dma_semaphore, #tpu.memory_space<semaphore_mem>>) src(%dma_wait3A_78 : memref<40x128xf32, #tpu.memory_space<vmem>>) dst(%dma_wait3A_75 : memref<40x128xf32, #tpu.memory_space<vmem_shared>>)
      tpu.yield
    }) : () -> ()
    %add3A_27 = arith.constant 200 : i32
    %add3A_28 = arith.addi %mul3A_16, %add3A_27 : i32
    "tpu.region"() ({
      %run_scoped3A = tpu.sem_alloc : memref<!tpu.dma_semaphore, #tpu.memory_space<semaphore_mem>>
      %dma_start3A_59 = arith.constant 0 : i32
      %dma_start3A_60 = arith.constant 0 : i32
      %dma_start3A_61 = tpu.memref_slice %arg6[%dma_start3A_59, %dma_start3A_60] : memref<128x128xf32, #tpu.memory_space<vmem>> -> memref<40x128xf32, #tpu.memory_space<vmem>>
      %dma_start3A_62 = arith.constant 0 : i32
      %dma_start3A_63 = tpu.memref_slice %arg8[%add3A_28, %dma_start3A_62] : memref<10240x128xf32, #tpu.memory_space<vmem_shared>> -> memref<40x128xf32, #tpu.memory_space<vmem_shared>>
      %dma_start3A_64 = arith.constant 0 : i32
      %dma_start3A_65 = tpu.memref_slice %arg8[%add3A_28, %dma_start3A_64] : memref<10240x128xf32, #tpu.memory_space<vmem_shared>> -> memref<40x128xf32, #tpu.memory_space<vmem_shared>>
      %dma_start3A_66 = arith.constant 0 : i32
      %dma_start3A_67 = arith.constant 0 : i32
      %dma_start3A_68 = tpu.memref_slice %arg6[%dma_start3A_66, %dma_start3A_67] : memref<128x128xf32, #tpu.memory_space<vmem>> -> memref<40x128xf32, #tpu.memory_space<vmem>>
      tpu.enqueue_dma source(%dma_start3A_68 : memref<40x128xf32, #tpu.memory_space<vmem>>) target(%dma_start3A_65 : memref<40x128xf32, #tpu.memory_space<vmem_shared>>) target_semaphore(%run_scoped3A : memref<!tpu.dma_semaphore, #tpu.memory_space<semaphore_mem>>)
      %dma_wait3A_69 = arith.constant 0 : i32
      %dma_wait3A_70 = arith.constant 0 : i32
      %dma_wait3A_71 = tpu.memref_slice %arg6[%dma_wait3A_69, %dma_wait3A_70] : memref<128x128xf32, #tpu.memory_space<vmem>> -> memref<40x128xf32, #tpu.memory_space<vmem>>
      %dma_wait3A_72 = arith.constant 0 : i32
      %dma_wait3A_73 = tpu.memref_slice %arg8[%add3A_28, %dma_wait3A_72] : memref<10240x128xf32, #tpu.memory_space<vmem_shared>> -> memref<40x128xf32, #tpu.memory_space<vmem_shared>>
      %dma_wait3A_74 = arith.constant 0 : i32
      %dma_wait3A_75 = tpu.memref_slice %arg8[%add3A_28, %dma_wait3A_74] : memref<10240x128xf32, #tpu.memory_space<vmem_shared>> -> memref<40x128xf32, #tpu.memory_space<vmem_shared>>
      %dma_wait3A_76 = arith.constant 0 : i32
      %dma_wait3A_77 = arith.constant 0 : i32
      %dma_wait3A_78 = tpu.memref_slice %arg6[%dma_wait3A_76, %dma_wait3A_77] : memref<128x128xf32, #tpu.memory_space<vmem>> -> memref<40x128xf32, #tpu.memory_space<vmem>>
      tpu.wait_dma2 semaphore(%run_scoped3A : memref<!tpu.dma_semaphore, #tpu.memory_space<semaphore_mem>>) src(%dma_wait3A_78 : memref<40x128xf32, #tpu.memory_space<vmem>>) dst(%dma_wait3A_75 : memref<40x128xf32, #tpu.memory_space<vmem_shared>>)
      tpu.yield
    }) : () -> ()
    %add3A_29 = arith.constant 240 : i32
    %add3A_30 = arith.addi %mul3A_16, %add3A_29 : i32
    "tpu.region"() ({
      %run_scoped3A = tpu.sem_alloc : memref<!tpu.dma_semaphore, #tpu.memory_space<semaphore_mem>>
      %dma_start3A_59 = arith.constant 0 : i32
      %dma_start3A_60 = arith.constant 0 : i32
      %dma_start3A_61 = tpu.memref_slice %arg6[%dma_start3A_59, %dma_start3A_60] : memref<128x128xf32, #tpu.memory_space<vmem>> -> memref<40x128xf32, #tpu.memory_space<vmem>>
      %dma_start3A_62 = arith.constant 0 : i32
      %dma_start3A_63 = tpu.memref_slice %arg8[%add3A_30, %dma_start3A_62] : memref<10240x128xf32, #tpu.memory_space<vmem_shared>> -> memref<40x128xf32, #tpu.memory_space<vmem_shared>>
      %dma_start3A_64 = arith.constant 0 : i32
      %dma_start3A_65 = tpu.memref_slice %arg8[%add3A_30, %dma_start3A_64] : memref<10240x128xf32, #tpu.memory_space<vmem_shared>> -> memref<40x128xf32, #tpu.memory_space<vmem_shared>>
      %dma_start3A_66 = arith.constant 0 : i32
      %dma_start3A_67 = arith.constant 0 : i32
      %dma_start3A_68 = tpu.memref_slice %arg6[%dma_start3A_66, %dma_start3A_67] : memref<128x128xf32, #tpu.memory_space<vmem>> -> memref<40x128xf32, #tpu.memory_space<vmem>>
      tpu.enqueue_dma source(%dma_start3A_68 : memref<40x128xf32, #tpu.memory_space<vmem>>) target(%dma_start3A_65 : memref<40x128xf32, #tpu.memory_space<vmem_shared>>) target_semaphore(%run_scoped3A : memref<!tpu.dma_semaphore, #tpu.memory_space<semaphore_mem>>)
      %dma_wait3A_69 = arith.constant 0 : i32
      %dma_wait3A_70 = arith.constant 0 : i32
      %dma_wait3A_71 = tpu.memref_slice %arg6[%dma_wait3A_69, %dma_wait3A_70] : memref<128x128xf32, #tpu.memory_space<vmem>> -> memref<40x128xf32, #tpu.memory_space<vmem>>
      %dma_wait3A_72 = arith.constant 0 : i32
      %dma_wait3A_73 = tpu.memref_slice %arg8[%add3A_30, %dma_wait3A_72] : memref<10240x128xf32, #tpu.memory_space<vmem_shared>> -> memref<40x128xf32, #tpu.memory_space<vmem_shared>>
      %dma_wait3A_74 = arith.constant 0 : i32
      %dma_wait3A_75 = tpu.memref_slice %arg8[%add3A_30, %dma_wait3A_74] : memref<10240x128xf32, #tpu.memory_space<vmem_shared>> -> memref<40x128xf32, #tpu.memory_space<vmem_shared>>
      %dma_wait3A_76 = arith.constant 0 : i32
      %dma_wait3A_77 = arith.constant 0 : i32
      %dma_wait3A_78 = tpu.memref_slice %arg6[%dma_wait3A_76, %dma_wait3A_77] : memref<128x128xf32, #tpu.memory_space<vmem>> -> memref<40x128xf32, #tpu.memory_space<vmem>>
      tpu.wait_dma2 semaphore(%run_scoped3A : memref<!tpu.dma_semaphore, #tpu.memory_space<semaphore_mem>>) src(%dma_wait3A_78 : memref<40x128xf32, #tpu.memory_space<vmem>>) dst(%dma_wait3A_75 : memref<40x128xf32, #tpu.memory_space<vmem_shared>>)
      tpu.yield
    }) : () -> ()
    %add3A_31 = arith.constant 280 : i32
    %add3A_32 = arith.addi %mul3A_16, %add3A_31 : i32
    "tpu.region"() ({
      %run_scoped3A = tpu.sem_alloc : memref<!tpu.dma_semaphore, #tpu.memory_space<semaphore_mem>>
      %dma_start3A_59 = arith.constant 0 : i32
      %dma_start3A_60 = arith.constant 0 : i32
      %dma_start3A_61 = tpu.memref_slice %arg6[%dma_start3A_59, %dma_start3A_60] : memref<128x128xf32, #tpu.memory_space<vmem>> -> memref<40x128xf32, #tpu.memory_space<vmem>>
      %dma_start3A_62 = arith.constant 0 : i32
      %dma_start3A_63 = tpu.memref_slice %arg8[%add3A_32, %dma_start3A_62] : memref<10240x128xf32, #tpu.memory_space<vmem_shared>> -> memref<40x128xf32, #tpu.memory_space<vmem_shared>>
      %dma_start3A_64 = arith.constant 0 : i32
      %dma_start3A_65 = tpu.memref_slice %arg8[%add3A_32, %dma_start3A_64] : memref<10240x128xf32, #tpu.memory_space<vmem_shared>> -> memref<40x128xf32, #tpu.memory_space<vmem_shared>>
      %dma_start3A_66 = arith.constant 0 : i32
      %dma_start3A_67 = arith.constant 0 : i32
      %dma_start3A_68 = tpu.memref_slice %arg6[%dma_start3A_66, %dma_start3A_67] : memref<128x128xf32, #tpu.memory_space<vmem>> -> memref<40x128xf32, #tpu.memory_space<vmem>>
      tpu.enqueue_dma source(%dma_start3A_68 : memref<40x128xf32, #tpu.memory_space<vmem>>) target(%dma_start3A_65 : memref<40x128xf32, #tpu.memory_space<vmem_shared>>) target_semaphore(%run_scoped3A : memref<!tpu.dma_semaphore, #tpu.memory_space<semaphore_mem>>)
      %dma_wait3A_69 = arith.constant 0 : i32
      %dma_wait3A_70 = arith.constant 0 : i32
      %dma_wait3A_71 = tpu.memref_slice %arg6[%dma_wait3A_69, %dma_wait3A_70] : memref<128x128xf32, #tpu.memory_space<vmem>> -> memref<40x128xf32, #tpu.memory_space<vmem>>
      %dma_wait3A_72 = arith.constant 0 : i32
      %dma_wait3A_73 = tpu.memref_slice %arg8[%add3A_32, %dma_wait3A_72] : memref<10240x128xf32, #tpu.memory_space<vmem_shared>> -> memref<40x128xf32, #tpu.memory_space<vmem_shared>>
      %dma_wait3A_74 = arith.constant 0 : i32
      %dma_wait3A_75 = tpu.memref_slice %arg8[%add3A_32, %dma_wait3A_74] : memref<10240x128xf32, #tpu.memory_space<vmem_shared>> -> memref<40x128xf32, #tpu.memory_space<vmem_shared>>
      %dma_wait3A_76 = arith.constant 0 : i32
      %dma_wait3A_77 = arith.constant 0 : i32
      %dma_wait3A_78 = tpu.memref_slice %arg6[%dma_wait3A_76, %dma_wait3A_77] : memref<128x128xf32, #tpu.memory_space<vmem>> -> memref<40x128xf32, #tpu.memory_space<vmem>>
      tpu.wait_dma2 semaphore(%run_scoped3A : memref<!tpu.dma_semaphore, #tpu.memory_space<semaphore_mem>>) src(%dma_wait3A_78 : memref<40x128xf32, #tpu.memory_space<vmem>>) dst(%dma_wait3A_75 : memref<40x128xf32, #tpu.memory_space<vmem_shared>>)
      tpu.yield
    }) : () -> ()
    %add3A_33 = arith.constant 320 : i32
    %add3A_34 = arith.addi %mul3A_16, %add3A_33 : i32
    "tpu.region"() ({
      %run_scoped3A = tpu.sem_alloc : memref<!tpu.dma_semaphore, #tpu.memory_space<semaphore_mem>>
      %dma_start3A_59 = arith.constant 0 : i32
      %dma_start3A_60 = arith.constant 0 : i32
      %dma_start3A_61 = tpu.memref_slice %arg6[%dma_start3A_59, %dma_start3A_60] : memref<128x128xf32, #tpu.memory_space<vmem>> -> memref<40x128xf32, #tpu.memory_space<vmem>>
      %dma_start3A_62 = arith.constant 0 : i32
      %dma_start3A_63 = tpu.memref_slice %arg8[%add3A_34, %dma_start3A_62] : memref<10240x128xf32, #tpu.memory_space<vmem_shared>> -> memref<40x128xf32, #tpu.memory_space<vmem_shared>>
      %dma_start3A_64 = arith.constant 0 : i32
      %dma_start3A_65 = tpu.memref_slice %arg8[%add3A_34, %dma_start3A_64] : memref<10240x128xf32, #tpu.memory_space<vmem_shared>> -> memref<40x128xf32, #tpu.memory_space<vmem_shared>>
      %dma_start3A_66 = arith.constant 0 : i32
      %dma_start3A_67 = arith.constant 0 : i32
      %dma_start3A_68 = tpu.memref_slice %arg6[%dma_start3A_66, %dma_start3A_67] : memref<128x128xf32, #tpu.memory_space<vmem>> -> memref<40x128xf32, #tpu.memory_space<vmem>>
      tpu.enqueue_dma source(%dma_start3A_68 : memref<40x128xf32, #tpu.memory_space<vmem>>) target(%dma_start3A_65 : memref<40x128xf32, #tpu.memory_space<vmem_shared>>) target_semaphore(%run_scoped3A : memref<!tpu.dma_semaphore, #tpu.memory_space<semaphore_mem>>)
      %dma_wait3A_69 = arith.constant 0 : i32
      %dma_wait3A_70 = arith.constant 0 : i32
      %dma_wait3A_71 = tpu.memref_slice %arg6[%dma_wait3A_69, %dma_wait3A_70] : memref<128x128xf32, #tpu.memory_space<vmem>> -> memref<40x128xf32, #tpu.memory_space<vmem>>
      %dma_wait3A_72 = arith.constant 0 : i32
      %dma_wait3A_73 = tpu.memref_slice %arg8[%add3A_34, %dma_wait3A_72] : memref<10240x128xf32, #tpu.memory_space<vmem_shared>> -> memref<40x128xf32, #tpu.memory_space<vmem_shared>>
      %dma_wait3A_74 = arith.constant 0 : i32
      %dma_wait3A_75 = tpu.memref_slice %arg8[%add3A_34, %dma_wait3A_74] : memref<10240x128xf32, #tpu.memory_space<vmem_shared>> -> memref<40x128xf32, #tpu.memory_space<vmem_shared>>
      %dma_wait3A_76 = arith.constant 0 : i32
      %dma_wait3A_77 = arith.constant 0 : i32
      %dma_wait3A_78 = tpu.memref_slice %arg6[%dma_wait3A_76, %dma_wait3A_77] : memref<128x128xf32, #tpu.memory_space<vmem>> -> memref<40x128xf32, #tpu.memory_space<vmem>>
      tpu.wait_dma2 semaphore(%run_scoped3A : memref<!tpu.dma_semaphore, #tpu.memory_space<semaphore_mem>>) src(%dma_wait3A_78 : memref<40x128xf32, #tpu.memory_space<vmem>>) dst(%dma_wait3A_75 : memref<40x128xf32, #tpu.memory_space<vmem_shared>>)
      tpu.yield
    }) : () -> ()
    %add3A_35 = arith.constant 360 : i32
    %add3A_36 = arith.addi %mul3A_16, %add3A_35 : i32
    "tpu.region"() ({
      %run_scoped3A = tpu.sem_alloc : memref<!tpu.dma_semaphore, #tpu.memory_space<semaphore_mem>>
      %dma_start3A_59 = arith.constant 0 : i32
      %dma_start3A_60 = arith.constant 0 : i32
      %dma_start3A_61 = tpu.memref_slice %arg6[%dma_start3A_59, %dma_start3A_60] : memref<128x128xf32, #tpu.memory_space<vmem>> -> memref<40x128xf32, #tpu.memory_space<vmem>>
      %dma_start3A_62 = arith.constant 0 : i32
      %dma_start3A_63 = tpu.memref_slice %arg8[%add3A_36, %dma_start3A_62] : memref<10240x128xf32, #tpu.memory_space<vmem_shared>> -> memref<40x128xf32, #tpu.memory_space<vmem_shared>>
      %dma_start3A_64 = arith.constant 0 : i32
      %dma_start3A_65 = tpu.memref_slice %arg8[%add3A_36, %dma_start3A_64] : memref<10240x128xf32, #tpu.memory_space<vmem_shared>> -> memref<40x128xf32, #tpu.memory_space<vmem_shared>>
      %dma_start3A_66 = arith.constant 0 : i32
      %dma_start3A_67 = arith.constant 0 : i32
      %dma_start3A_68 = tpu.memref_slice %arg6[%dma_start3A_66, %dma_start3A_67] : memref<128x128xf32, #tpu.memory_space<vmem>> -> memref<40x128xf32, #tpu.memory_space<vmem>>
      tpu.enqueue_dma source(%dma_start3A_68 : memref<40x128xf32, #tpu.memory_space<vmem>>) target(%dma_start3A_65 : memref<40x128xf32, #tpu.memory_space<vmem_shared>>) target_semaphore(%run_scoped3A : memref<!tpu.dma_semaphore, #tpu.memory_space<semaphore_mem>>)
      %dma_wait3A_69 = arith.constant 0 : i32
      %dma_wait3A_70 = arith.constant 0 : i32
      %dma_wait3A_71 = tpu.memref_slice %arg6[%dma_wait3A_69, %dma_wait3A_70] : memref<128x128xf32, #tpu.memory_space<vmem>> -> memref<40x128xf32, #tpu.memory_space<vmem>>
      %dma_wait3A_72 = arith.constant 0 : i32
      %dma_wait3A_73 = tpu.memref_slice %arg8[%add3A_36, %dma_wait3A_72] : memref<10240x128xf32, #tpu.memory_space<vmem_shared>> -> memref<40x128xf32, #tpu.memory_space<vmem_shared>>
      %dma_wait3A_74 = arith.constant 0 : i32
      %dma_wait3A_75 = tpu.memref_slice %arg8[%add3A_36, %dma_wait3A_74] : memref<10240x128xf32, #tpu.memory_space<vmem_shared>> -> memref<40x128xf32, #tpu.memory_space<vmem_shared>>
      %dma_wait3A_76 = arith.constant 0 : i32
      %dma_wait3A_77 = arith.constant 0 : i32
      %dma_wait3A_78 = tpu.memref_slice %arg6[%dma_wait3A_76, %dma_wait3A_77] : memref<128x128xf32, #tpu.memory_space<vmem>> -> memref<40x128xf32, #tpu.memory_space<vmem>>
      tpu.wait_dma2 semaphore(%run_scoped3A : memref<!tpu.dma_semaphore, #tpu.memory_space<semaphore_mem>>) src(%dma_wait3A_78 : memref<40x128xf32, #tpu.memory_space<vmem>>) dst(%dma_wait3A_75 : memref<40x128xf32, #tpu.memory_space<vmem_shared>>)
      tpu.yield
    }) : () -> ()
    %add3A_37 = arith.constant 400 : i32
    %add3A_38 = arith.addi %mul3A_16, %add3A_37 : i32
    "tpu.region"() ({
      %run_scoped3A = tpu.sem_alloc : memref<!tpu.dma_semaphore, #tpu.memory_space<semaphore_mem>>
      %dma_start3A_59 = arith.constant 0 : i32
      %dma_start3A_60 = arith.constant 0 : i32
      %dma_start3A_61 = tpu.memref_slice %arg6[%dma_start3A_59, %dma_start3A_60] : memref<128x128xf32, #tpu.memory_space<vmem>> -> memref<40x128xf32, #tpu.memory_space<vmem>>
      %dma_start3A_62 = arith.constant 0 : i32
      %dma_start3A_63 = tpu.memref_slice %arg8[%add3A_38, %dma_start3A_62] : memref<10240x128xf32, #tpu.memory_space<vmem_shared>> -> memref<40x128xf32, #tpu.memory_space<vmem_shared>>
      %dma_start3A_64 = arith.constant 0 : i32
      %dma_start3A_65 = tpu.memref_slice %arg8[%add3A_38, %dma_start3A_64] : memref<10240x128xf32, #tpu.memory_space<vmem_shared>> -> memref<40x128xf32, #tpu.memory_space<vmem_shared>>
      %dma_start3A_66 = arith.constant 0 : i32
      %dma_start3A_67 = arith.constant 0 : i32
      %dma_start3A_68 = tpu.memref_slice %arg6[%dma_start3A_66, %dma_start3A_67] : memref<128x128xf32, #tpu.memory_space<vmem>> -> memref<40x128xf32, #tpu.memory_space<vmem>>
      tpu.enqueue_dma source(%dma_start3A_68 : memref<40x128xf32, #tpu.memory_space<vmem>>) target(%dma_start3A_65 : memref<40x128xf32, #tpu.memory_space<vmem_shared>>) target_semaphore(%run_scoped3A : memref<!tpu.dma_semaphore, #tpu.memory_space<semaphore_mem>>)
      %dma_wait3A_69 = arith.constant 0 : i32
      %dma_wait3A_70 = arith.constant 0 : i32
      %dma_wait3A_71 = tpu.memref_slice %arg6[%dma_wait3A_69, %dma_wait3A_70] : memref<128x128xf32, #tpu.memory_space<vmem>> -> memref<40x128xf32, #tpu.memory_space<vmem>>
      %dma_wait3A_72 = arith.constant 0 : i32
      %dma_wait3A_73 = tpu.memref_slice %arg8[%add3A_38, %dma_wait3A_72] : memref<10240x128xf32, #tpu.memory_space<vmem_shared>> -> memref<40x128xf32, #tpu.memory_space<vmem_shared>>
      %dma_wait3A_74 = arith.constant 0 : i32
      %dma_wait3A_75 = tpu.memref_slice %arg8[%add3A_38, %dma_wait3A_74] : memref<10240x128xf32, #tpu.memory_space<vmem_shared>> -> memref<40x128xf32, #tpu.memory_space<vmem_shared>>
      %dma_wait3A_76 = arith.constant 0 : i32
      %dma_wait3A_77 = arith.constant 0 : i32
      %dma_wait3A_78 = tpu.memref_slice %arg6[%dma_wait3A_76, %dma_wait3A_77] : memref<128x128xf32, #tpu.memory_space<vmem>> -> memref<40x128xf32, #tpu.memory_space<vmem>>
      tpu.wait_dma2 semaphore(%run_scoped3A : memref<!tpu.dma_semaphore, #tpu.memory_space<semaphore_mem>>) src(%dma_wait3A_78 : memref<40x128xf32, #tpu.memory_space<vmem>>) dst(%dma_wait3A_75 : memref<40x128xf32, #tpu.memory_space<vmem_shared>>)
      tpu.yield
    }) : () -> ()
    %add3A_39 = arith.constant 440 : i32
    %add3A_40 = arith.addi %mul3A_16, %add3A_39 : i32
    "tpu.region"() ({
      %run_scoped3A = tpu.sem_alloc : memref<!tpu.dma_semaphore, #tpu.memory_space<semaphore_mem>>
      %dma_start3A_59 = arith.constant 0 : i32
      %dma_start3A_60 = arith.constant 0 : i32
      %dma_start3A_61 = tpu.memref_slice %arg6[%dma_start3A_59, %dma_start3A_60] : memref<128x128xf32, #tpu.memory_space<vmem>> -> memref<40x128xf32, #tpu.memory_space<vmem>>
      %dma_start3A_62 = arith.constant 0 : i32
      %dma_start3A_63 = tpu.memref_slice %arg8[%add3A_40, %dma_start3A_62] : memref<10240x128xf32, #tpu.memory_space<vmem_shared>> -> memref<40x128xf32, #tpu.memory_space<vmem_shared>>
      %dma_start3A_64 = arith.constant 0 : i32
      %dma_start3A_65 = tpu.memref_slice %arg8[%add3A_40, %dma_start3A_64] : memref<10240x128xf32, #tpu.memory_space<vmem_shared>> -> memref<40x128xf32, #tpu.memory_space<vmem_shared>>
      %dma_start3A_66 = arith.constant 0 : i32
      %dma_start3A_67 = arith.constant 0 : i32
      %dma_start3A_68 = tpu.memref_slice %arg6[%dma_start3A_66, %dma_start3A_67] : memref<128x128xf32, #tpu.memory_space<vmem>> -> memref<40x128xf32, #tpu.memory_space<vmem>>
      tpu.enqueue_dma source(%dma_start3A_68 : memref<40x128xf32, #tpu.memory_space<vmem>>) target(%dma_start3A_65 : memref<40x128xf32, #tpu.memory_space<vmem_shared>>) target_semaphore(%run_scoped3A : memref<!tpu.dma_semaphore, #tpu.memory_space<semaphore_mem>>)
      %dma_wait3A_69 = arith.constant 0 : i32
      %dma_wait3A_70 = arith.constant 0 : i32
      %dma_wait3A_71 = tpu.memref_slice %arg6[%dma_wait3A_69, %dma_wait3A_70] : memref<128x128xf32, #tpu.memory_space<vmem>> -> memref<40x128xf32, #tpu.memory_space<vmem>>
      %dma_wait3A_72 = arith.constant 0 : i32
      %dma_wait3A_73 = tpu.memref_slice %arg8[%add3A_40, %dma_wait3A_72] : memref<10240x128xf32, #tpu.memory_space<vmem_shared>> -> memref<40x128xf32, #tpu.memory_space<vmem_shared>>
      %dma_wait3A_74 = arith.constant 0 : i32
      %dma_wait3A_75 = tpu.memref_slice %arg8[%add3A_40, %dma_wait3A_74] : memref<10240x128xf32, #tpu.memory_space<vmem_shared>> -> memref<40x128xf32, #tpu.memory_space<vmem_shared>>
      %dma_wait3A_76 = arith.constant 0 : i32
      %dma_wait3A_77 = arith.constant 0 : i32
      %dma_wait3A_78 = tpu.memref_slice %arg6[%dma_wait3A_76, %dma_wait3A_77] : memref<128x128xf32, #tpu.memory_space<vmem>> -> memref<40x128xf32, #tpu.memory_space<vmem>>
      tpu.wait_dma2 semaphore(%run_scoped3A : memref<!tpu.dma_semaphore, #tpu.memory_space<semaphore_mem>>) src(%dma_wait3A_78 : memref<40x128xf32, #tpu.memory_space<vmem>>) dst(%dma_wait3A_75 : memref<40x128xf32, #tpu.memory_space<vmem_shared>>)
      tpu.yield
    }) : () -> ()
    %add3A_41 = arith.constant 480 : i32
    %add3A_42 = arith.addi %mul3A_16, %add3A_41 : i32
    "tpu.region"() ({
      %run_scoped3A = tpu.sem_alloc : memref<!tpu.dma_semaphore, #tpu.memory_space<semaphore_mem>>
      %dma_start3A_59 = arith.constant 0 : i32
      %dma_start3A_60 = arith.constant 0 : i32
      %dma_start3A_61 = tpu.memref_slice %arg6[%dma_start3A_59, %dma_start3A_60] : memref<128x128xf32, #tpu.memory_space<vmem>> -> memref<40x128xf32, #tpu.memory_space<vmem>>
      %dma_start3A_62 = arith.constant 0 : i32
      %dma_start3A_63 = tpu.memref_slice %arg8[%add3A_42, %dma_start3A_62] : memref<10240x128xf32, #tpu.memory_space<vmem_shared>> -> memref<40x128xf32, #tpu.memory_space<vmem_shared>>
      %dma_start3A_64 = arith.constant 0 : i32
      %dma_start3A_65 = tpu.memref_slice %arg8[%add3A_42, %dma_start3A_64] : memref<10240x128xf32, #tpu.memory_space<vmem_shared>> -> memref<40x128xf32, #tpu.memory_space<vmem_shared>>
      %dma_start3A_66 = arith.constant 0 : i32
      %dma_start3A_67 = arith.constant 0 : i32
      %dma_start3A_68 = tpu.memref_slice %arg6[%dma_start3A_66, %dma_start3A_67] : memref<128x128xf32, #tpu.memory_space<vmem>> -> memref<40x128xf32, #tpu.memory_space<vmem>>
      tpu.enqueue_dma source(%dma_start3A_68 : memref<40x128xf32, #tpu.memory_space<vmem>>) target(%dma_start3A_65 : memref<40x128xf32, #tpu.memory_space<vmem_shared>>) target_semaphore(%run_scoped3A : memref<!tpu.dma_semaphore, #tpu.memory_space<semaphore_mem>>)
      %dma_wait3A_69 = arith.constant 0 : i32
      %dma_wait3A_70 = arith.constant 0 : i32
      %dma_wait3A_71 = tpu.memref_slice %arg6[%dma_wait3A_69, %dma_wait3A_70] : memref<128x128xf32, #tpu.memory_space<vmem>> -> memref<40x128xf32, #tpu.memory_space<vmem>>
      %dma_wait3A_72 = arith.constant 0 : i32
      %dma_wait3A_73 = tpu.memref_slice %arg8[%add3A_42, %dma_wait3A_72] : memref<10240x128xf32, #tpu.memory_space<vmem_shared>> -> memref<40x128xf32, #tpu.memory_space<vmem_shared>>
      %dma_wait3A_74 = arith.constant 0 : i32
      %dma_wait3A_75 = tpu.memref_slice %arg8[%add3A_42, %dma_wait3A_74] : memref<10240x128xf32, #tpu.memory_space<vmem_shared>> -> memref<40x128xf32, #tpu.memory_space<vmem_shared>>
      %dma_wait3A_76 = arith.constant 0 : i32
      %dma_wait3A_77 = arith.constant 0 : i32
      %dma_wait3A_78 = tpu.memref_slice %arg6[%dma_wait3A_76, %dma_wait3A_77] : memref<128x128xf32, #tpu.memory_space<vmem>> -> memref<40x128xf32, #tpu.memory_space<vmem>>
      tpu.wait_dma2 semaphore(%run_scoped3A : memref<!tpu.dma_semaphore, #tpu.memory_space<semaphore_mem>>) src(%dma_wait3A_78 : memref<40x128xf32, #tpu.memory_space<vmem>>) dst(%dma_wait3A_75 : memref<40x128xf32, #tpu.memory_space<vmem_shared>>)
      tpu.yield
    }) : () -> ()
    %add3A_43 = arith.constant 520 : i32
    %add3A_44 = arith.addi %mul3A_16, %add3A_43 : i32
    "tpu.region"() ({
      %run_scoped3A = tpu.sem_alloc : memref<!tpu.dma_semaphore, #tpu.memory_space<semaphore_mem>>
      %dma_start3A_59 = arith.constant 0 : i32
      %dma_start3A_60 = arith.constant 0 : i32
      %dma_start3A_61 = tpu.memref_slice %arg6[%dma_start3A_59, %dma_start3A_60] : memref<128x128xf32, #tpu.memory_space<vmem>> -> memref<40x128xf32, #tpu.memory_space<vmem>>
      %dma_start3A_62 = arith.constant 0 : i32
      %dma_start3A_63 = tpu.memref_slice %arg8[%add3A_44, %dma_start3A_62] : memref<10240x128xf32, #tpu.memory_space<vmem_shared>> -> memref<40x128xf32, #tpu.memory_space<vmem_shared>>
      %dma_start3A_64 = arith.constant 0 : i32
      %dma_start3A_65 = tpu.memref_slice %arg8[%add3A_44, %dma_start3A_64] : memref<10240x128xf32, #tpu.memory_space<vmem_shared>> -> memref<40x128xf32, #tpu.memory_space<vmem_shared>>
      %dma_start3A_66 = arith.constant 0 : i32
      %dma_start3A_67 = arith.constant 0 : i32
      %dma_start3A_68 = tpu.memref_slice %arg6[%dma_start3A_66, %dma_start3A_67] : memref<128x128xf32, #tpu.memory_space<vmem>> -> memref<40x128xf32, #tpu.memory_space<vmem>>
      tpu.enqueue_dma source(%dma_start3A_68 : memref<40x128xf32, #tpu.memory_space<vmem>>) target(%dma_start3A_65 : memref<40x128xf32, #tpu.memory_space<vmem_shared>>) target_semaphore(%run_scoped3A : memref<!tpu.dma_semaphore, #tpu.memory_space<semaphore_mem>>)
      %dma_wait3A_69 = arith.constant 0 : i32
      %dma_wait3A_70 = arith.constant 0 : i32
      %dma_wait3A_71 = tpu.memref_slice %arg6[%dma_wait3A_69, %dma_wait3A_70] : memref<128x128xf32, #tpu.memory_space<vmem>> -> memref<40x128xf32, #tpu.memory_space<vmem>>
      %dma_wait3A_72 = arith.constant 0 : i32
      %dma_wait3A_73 = tpu.memref_slice %arg8[%add3A_44, %dma_wait3A_72] : memref<10240x128xf32, #tpu.memory_space<vmem_shared>> -> memref<40x128xf32, #tpu.memory_space<vmem_shared>>
      %dma_wait3A_74 = arith.constant 0 : i32
      %dma_wait3A_75 = tpu.memref_slice %arg8[%add3A_44, %dma_wait3A_74] : memref<10240x128xf32, #tpu.memory_space<vmem_shared>> -> memref<40x128xf32, #tpu.memory_space<vmem_shared>>
      %dma_wait3A_76 = arith.constant 0 : i32
      %dma_wait3A_77 = arith.constant 0 : i32
      %dma_wait3A_78 = tpu.memref_slice %arg6[%dma_wait3A_76, %dma_wait3A_77] : memref<128x128xf32, #tpu.memory_space<vmem>> -> memref<40x128xf32, #tpu.memory_space<vmem>>
      tpu.wait_dma2 semaphore(%run_scoped3A : memref<!tpu.dma_semaphore, #tpu.memory_space<semaphore_mem>>) src(%dma_wait3A_78 : memref<40x128xf32, #tpu.memory_space<vmem>>) dst(%dma_wait3A_75 : memref<40x128xf32, #tpu.memory_space<vmem_shared>>)
      tpu.yield
    }) : () -> ()
    %add3A_45 = arith.constant 560 : i32
    %add3A_46 = arith.addi %mul3A_16, %add3A_45 : i32
    "tpu.region"() ({
      %run_scoped3A = tpu.sem_alloc : memref<!tpu.dma_semaphore, #tpu.memory_space<semaphore_mem>>
      %dma_start3A_59 = arith.constant 0 : i32
      %dma_start3A_60 = arith.constant 0 : i32
      %dma_start3A_61 = tpu.memref_slice %arg6[%dma_start3A_59, %dma_start3A_60] : memref<128x128xf32, #tpu.memory_space<vmem>> -> memref<40x128xf32, #tpu.memory_space<vmem>>
      %dma_start3A_62 = arith.constant 0 : i32
      %dma_start3A_63 = tpu.memref_slice %arg8[%add3A_46, %dma_start3A_62] : memref<10240x128xf32, #tpu.memory_space<vmem_shared>> -> memref<40x128xf32, #tpu.memory_space<vmem_shared>>
      %dma_start3A_64 = arith.constant 0 : i32
      %dma_start3A_65 = tpu.memref_slice %arg8[%add3A_46, %dma_start3A_64] : memref<10240x128xf32, #tpu.memory_space<vmem_shared>> -> memref<40x128xf32, #tpu.memory_space<vmem_shared>>
      %dma_start3A_66 = arith.constant 0 : i32
      %dma_start3A_67 = arith.constant 0 : i32
      %dma_start3A_68 = tpu.memref_slice %arg6[%dma_start3A_66, %dma_start3A_67] : memref<128x128xf32, #tpu.memory_space<vmem>> -> memref<40x128xf32, #tpu.memory_space<vmem>>
      tpu.enqueue_dma source(%dma_start3A_68 : memref<40x128xf32, #tpu.memory_space<vmem>>) target(%dma_start3A_65 : memref<40x128xf32, #tpu.memory_space<vmem_shared>>) target_semaphore(%run_scoped3A : memref<!tpu.dma_semaphore, #tpu.memory_space<semaphore_mem>>)
      %dma_wait3A_69 = arith.constant 0 : i32
      %dma_wait3A_70 = arith.constant 0 : i32
      %dma_wait3A_71 = tpu.memref_slice %arg6[%dma_wait3A_69, %dma_wait3A_70] : memref<128x128xf32, #tpu.memory_space<vmem>> -> memref<40x128xf32, #tpu.memory_space<vmem>>
      %dma_wait3A_72 = arith.constant 0 : i32
      %dma_wait3A_73 = tpu.memref_slice %arg8[%add3A_46, %dma_wait3A_72] : memref<10240x128xf32, #tpu.memory_space<vmem_shared>> -> memref<40x128xf32, #tpu.memory_space<vmem_shared>>
      %dma_wait3A_74 = arith.constant 0 : i32
      %dma_wait3A_75 = tpu.memref_slice %arg8[%add3A_46, %dma_wait3A_74] : memref<10240x128xf32, #tpu.memory_space<vmem_shared>> -> memref<40x128xf32, #tpu.memory_space<vmem_shared>>
      %dma_wait3A_76 = arith.constant 0 : i32
      %dma_wait3A_77 = arith.constant 0 : i32
      %dma_wait3A_78 = tpu.memref_slice %arg6[%dma_wait3A_76, %dma_wait3A_77] : memref<128x128xf32, #tpu.memory_space<vmem>> -> memref<40x128xf32, #tpu.memory_space<vmem>>
      tpu.wait_dma2 semaphore(%run_scoped3A : memref<!tpu.dma_semaphore, #tpu.memory_space<semaphore_mem>>) src(%dma_wait3A_78 : memref<40x128xf32, #tpu.memory_space<vmem>>) dst(%dma_wait3A_75 : memref<40x128xf32, #tpu.memory_space<vmem_shared>>)
      tpu.yield
    }) : () -> ()
    %add3A_47 = arith.constant 600 : i32
    %add3A_48 = arith.addi %mul3A_16, %add3A_47 : i32
    "tpu.region"() ({
      %run_scoped3A = tpu.sem_alloc : memref<!tpu.dma_semaphore, #tpu.memory_space<semaphore_mem>>
      %dma_start3A_59 = arith.constant 0 : i32
      %dma_start3A_60 = arith.constant 0 : i32
      %dma_start3A_61 = tpu.memref_slice %arg6[%dma_start3A_59, %dma_start3A_60] : memref<128x128xf32, #tpu.memory_space<vmem>> -> memref<40x128xf32, #tpu.memory_space<vmem>>
      %dma_start3A_62 = arith.constant 0 : i32
      %dma_start3A_63 = tpu.memref_slice %arg8[%add3A_48, %dma_start3A_62] : memref<10240x128xf32, #tpu.memory_space<vmem_shared>> -> memref<40x128xf32, #tpu.memory_space<vmem_shared>>
      %dma_start3A_64 = arith.constant 0 : i32
      %dma_start3A_65 = tpu.memref_slice %arg8[%add3A_48, %dma_start3A_64] : memref<10240x128xf32, #tpu.memory_space<vmem_shared>> -> memref<40x128xf32, #tpu.memory_space<vmem_shared>>
      %dma_start3A_66 = arith.constant 0 : i32
      %dma_start3A_67 = arith.constant 0 : i32
      %dma_start3A_68 = tpu.memref_slice %arg6[%dma_start3A_66, %dma_start3A_67] : memref<128x128xf32, #tpu.memory_space<vmem>> -> memref<40x128xf32, #tpu.memory_space<vmem>>
      tpu.enqueue_dma source(%dma_start3A_68 : memref<40x128xf32, #tpu.memory_space<vmem>>) target(%dma_start3A_65 : memref<40x128xf32, #tpu.memory_space<vmem_shared>>) target_semaphore(%run_scoped3A : memref<!tpu.dma_semaphore, #tpu.memory_space<semaphore_mem>>)
      %dma_wait3A_69 = arith.constant 0 : i32
      %dma_wait3A_70 = arith.constant 0 : i32
      %dma_wait3A_71 = tpu.memref_slice %arg6[%dma_wait3A_69, %dma_wait3A_70] : memref<128x128xf32, #tpu.memory_space<vmem>> -> memref<40x128xf32, #tpu.memory_space<vmem>>
      %dma_wait3A_72 = arith.constant 0 : i32
      %dma_wait3A_73 = tpu.memref_slice %arg8[%add3A_48, %dma_wait3A_72] : memref<10240x128xf32, #tpu.memory_space<vmem_shared>> -> memref<40x128xf32, #tpu.memory_space<vmem_shared>>
      %dma_wait3A_74 = arith.constant 0 : i32
      %dma_wait3A_75 = tpu.memref_slice %arg8[%add3A_48, %dma_wait3A_74] : memref<10240x128xf32, #tpu.memory_space<vmem_shared>> -> memref<40x128xf32, #tpu.memory_space<vmem_shared>>
      %dma_wait3A_76 = arith.constant 0 : i32
      %dma_wait3A_77 = arith.constant 0 : i32
      %dma_wait3A_78 = tpu.memref_slice %arg6[%dma_wait3A_76, %dma_wait3A_77] : memref<128x128xf32, #tpu.memory_space<vmem>> -> memref<40x128xf32, #tpu.memory_space<vmem>>
      tpu.wait_dma2 semaphore(%run_scoped3A : memref<!tpu.dma_semaphore, #tpu.memory_space<semaphore_mem>>) src(%dma_wait3A_78 : memref<40x128xf32, #tpu.memory_space<vmem>>) dst(%dma_wait3A_75 : memref<40x128xf32, #tpu.memory_space<vmem_shared>>)
      tpu.yield
    }) : () -> ()
    %dma_wait3A = arith.constant 0 : i32
    %dma_wait3A_49 = tpu.memref_slice %arg3[%dma_wait3A, %add3A_5] : memref<2x320000xi32, #tpu.memory_space<hbm>> -> memref<2x5120xi32, #tpu.memory_space<hbm>>
    %dma_wait3A_50 = arith.constant 0 : i32
    %dma_wait3A_51 = tpu.memref_slice %arg3[%dma_wait3A_50, %add3A_5] : memref<2x320000xi32, #tpu.memory_space<hbm>> -> memref<2x5120xi32, #tpu.memory_space<hbm>>
    tpu.wait_dma2 semaphore(%arg13 : memref<!tpu.dma_semaphore, #tpu.memory_space<semaphore_mem>>) src(%dma_wait3A_51 : memref<2x5120xi32, #tpu.memory_space<hbm>>) dst(%arg5 : memref<2x5120xi32, #tpu.memory_space<vmem>>)
    %barrier3A = arith.constant 0 : index
    tpu.barrier barrier_id(%barrier3A)
    %ne3A = arith.constant 31 : i32
    %ne3A_52 = arith.cmpi ne, %add3A, %ne3A : i32
    %convert_element_type3A = arith.extui %ne3A_52 : i1 to i32
    %cond3A = arith.constant 0 : i32
    %cond3A_53 = arith.cmpi ne, %convert_element_type3A, %cond3A : i32
    scf.if %cond3A_53 {
      %dma_start3A_59 = arith.constant 0 : i32
      %dma_start3A_60 = arith.constant 0 : i32
      %dma_start3A_61 = tpu.memref_slice %arg5[%dma_start3A_59, %dma_start3A_60] : memref<2x5120xi32, #tpu.memory_space<vmem>> -> memref<1x128xi32, #tpu.memory_space<vmem>>
      %dma_start3A_62 = tpu.memref_squeeze %dma_start3A_61 : memref<1x128xi32, #tpu.memory_space<vmem>> -> memref<128xi32, #tpu.memory_space<vmem>>
      %dma_start3A_63 = arith.constant 0 : i32
      %dma_start3A_64 = arith.constant 0 : i32
      %dma_start3A_65 = tpu.memref_slice %arg2[%dma_start3A_63, %dma_start3A_64] : memref<10000x128xf32, #tpu.memory_space<hbm>> -> memref<10000x128xf32, #tpu.memory_space<hbm>>
      tpu.enqueue_indirect_dma source(%dma_start3A_65 : memref<10000x128xf32, #tpu.memory_space<hbm>>) target(%arg6 : memref<128x128xf32, #tpu.memory_space<vmem>>) offsets(%dma_start3A_62 : memref<128xi32, #tpu.memory_space<vmem>>) semaphore(%arg9 : memref<!tpu.dma_semaphore, #tpu.memory_space<semaphore_mem>>)
      %dma_start3A_66 = arith.constant 0 : i32
      %dma_start3A_67 = arith.constant 128 : i32
      %dma_start3A_68 = tpu.memref_slice %arg5[%dma_start3A_66, %dma_start3A_67] : memref<2x5120xi32, #tpu.memory_space<vmem>> -> memref<1x128xi32, #tpu.memory_space<vmem>>
      %dma_start3A_69 = tpu.memref_squeeze %dma_start3A_68 : memref<1x128xi32, #tpu.memory_space<vmem>> -> memref<128xi32, #tpu.memory_space<vmem>>
      %dma_start3A_70 = arith.constant 0 : i32
      %dma_start3A_71 = arith.constant 0 : i32
      %dma_start3A_72 = tpu.memref_slice %arg2[%dma_start3A_70, %dma_start3A_71] : memref<10000x128xf32, #tpu.memory_space<hbm>> -> memref<10000x128xf32, #tpu.memory_space<hbm>>
      tpu.enqueue_indirect_dma source(%dma_start3A_72 : memref<10000x128xf32, #tpu.memory_space<hbm>>) target(%arg7 : memref<128x128xf32, #tpu.memory_space<vmem>>) offsets(%dma_start3A_69 : memref<128xi32, #tpu.memory_space<vmem>>) semaphore(%arg10 : memref<!tpu.dma_semaphore, #tpu.memory_space<semaphore_mem>>)
      %scan3A_73 = arith.constant 0 : i32
      %scan3A_74 = arith.constant 0 : i32
      %scan3A_75 = arith.constant 19 : i32
      %scan3A_76 = arith.addi %scan3A_74, %scan3A_75 : i32
      %scan3A_77 = arith.constant 1 : i32
      scf.for %scan3A_140 = %scan3A_74 to %scan3A_76 step %scan3A_77  : i32 {
        %mul3A_141 = arith.constant 2 : i32
        %mul3A_142 = arith.muli %mul3A_141, %scan3A_140 : i32
        %add3A_143 = arith.constant 0 : i32
        %add3A_144 = arith.addi %add3A_143, %mul3A_142 : i32
        %mul3A_145 = arith.constant 128 : i32
        %mul3A_146 = arith.muli %add3A_144, %mul3A_145 : i32
        %dma_wait3A_147 = arith.constant 0 : i32
        %dma_wait3A_148 = tpu.memref_slice %arg5[%dma_wait3A_147, %mul3A_146] : memref<2x5120xi32, #tpu.memory_space<vmem>> -> memref<1x128xi32, #tpu.memory_space<vmem>>
        %dma_wait3A_149 = tpu.memref_squeeze %dma_wait3A_148 : memref<1x128xi32, #tpu.memory_space<vmem>> -> memref<128xi32, #tpu.memory_space<vmem>>
        %dma_wait3A_150 = arith.constant 0 : i32
        %dma_wait3A_151 = arith.constant 0 : i32
        %dma_wait3A_152 = tpu.memref_slice %arg2[%dma_wait3A_150, %dma_wait3A_151] : memref<10000x128xf32, #tpu.memory_space<hbm>> -> memref<10000x128xf32, #tpu.memory_space<hbm>>
        tpu.wait_indirect_dma semaphore(%arg9 : memref<!tpu.dma_semaphore, #tpu.memory_space<semaphore_mem>>) src(%dma_wait3A_152 : memref<10000x128xf32, #tpu.memory_space<hbm>>) dst(%arg6 : memref<128x128xf32, #tpu.memory_space<vmem>>)
        %mul3A_153 = arith.constant 128 : i32
        %mul3A_154 = arith.muli %add3A_144, %mul3A_153 : i32
        %run_scoped3A_155 = arith.constant 1 : i32
        "tpu.region"() ({
          %run_scoped3A_191 = tpu.sem_alloc : memref<!tpu.dma_semaphore, #tpu.memory_space<semaphore_mem>>
          %dma_start3A_192 = tpu.memref_slice %arg5[%run_scoped3A_155, %mul3A_154] : memref<2x5120xi32, #tpu.memory_space<vmem>> -> memref<1x128xi32, #tpu.memory_space<vmem>>
          %dma_start3A_193 = tpu.memref_squeeze %dma_start3A_192 : memref<1x128xi32, #tpu.memory_space<vmem>> -> memref<128xi32, #tpu.memory_space<vmem>>
          %dma_start3A_194 = arith.constant 0 : i32
          %dma_start3A_195 = arith.constant 0 : i32
          %dma_start3A_196 = tpu.memref_slice %arg8[%dma_start3A_194, %dma_start3A_195] : memref<10240x128xf32, #tpu.memory_space<vmem_shared>> -> memref<10240x128xf32, #tpu.memory_space<vmem_shared>>
          tpu.enqueue_indirect_dma source(%arg6 : memref<128x128xf32, #tpu.memory_space<vmem>>) target(%dma_start3A_196 : memref<10240x128xf32, #tpu.memory_space<vmem_shared>>) offsets(%dma_start3A_193 : memref<128xi32, #tpu.memory_space<vmem>>) semaphore(%run_scoped3A_191 : memref<!tpu.dma_semaphore, #tpu.memory_space<semaphore_mem>>) {add = true}
          %dma_wait3A_197 = tpu.memref_slice %arg5[%run_scoped3A_155, %mul3A_154] : memref<2x5120xi32, #tpu.memory_space<vmem>> -> memref<1x128xi32, #tpu.memory_space<vmem>>
          %dma_wait3A_198 = tpu.memref_squeeze %dma_wait3A_197 : memref<1x128xi32, #tpu.memory_space<vmem>> -> memref<128xi32, #tpu.memory_space<vmem>>
          %dma_wait3A_199 = arith.constant 0 : i32
          %dma_wait3A_200 = arith.constant 0 : i32
          %dma_wait3A_201 = tpu.memref_slice %arg8[%dma_wait3A_199, %dma_wait3A_200] : memref<10240x128xf32, #tpu.memory_space<vmem_shared>> -> memref<10240x128xf32, #tpu.memory_space<vmem_shared>>
          tpu.wait_indirect_dma semaphore(%run_scoped3A_191 : memref<!tpu.dma_semaphore, #tpu.memory_space<semaphore_mem>>) src(%arg6 : memref<128x128xf32, #tpu.memory_space<vmem>>) dst(%dma_wait3A_201 : memref<10240x128xf32, #tpu.memory_space<vmem_shared>>)
          tpu.yield
        }) : () -> ()
        %add3A_156 = arith.constant 2 : i32
        %add3A_157 = arith.addi %add3A_144, %add3A_156 : i32
        %mul3A_158 = arith.constant 128 : i32
        %mul3A_159 = arith.muli %add3A_157, %mul3A_158 : i32
        %dma_start3A_160 = arith.constant 0 : i32
        %dma_start3A_161 = tpu.memref_slice %arg5[%dma_start3A_160, %mul3A_159] : memref<2x5120xi32, #tpu.memory_space<vmem>> -> memref<1x128xi32, #tpu.memory_space<vmem>>
        %dma_start3A_162 = tpu.memref_squeeze %dma_start3A_161 : memref<1x128xi32, #tpu.memory_space<vmem>> -> memref<128xi32, #tpu.memory_space<vmem>>
        %dma_start3A_163 = arith.constant 0 : i32
        %dma_start3A_164 = arith.constant 0 : i32
        %dma_start3A_165 = tpu.memref_slice %arg2[%dma_start3A_163, %dma_start3A_164] : memref<10000x128xf32, #tpu.memory_space<hbm>> -> memref<10000x128xf32, #tpu.memory_space<hbm>>
        tpu.enqueue_indirect_dma source(%dma_start3A_165 : memref<10000x128xf32, #tpu.memory_space<hbm>>) target(%arg6 : memref<128x128xf32, #tpu.memory_space<vmem>>) offsets(%dma_start3A_162 : memref<128xi32, #tpu.memory_space<vmem>>) semaphore(%arg9 : memref<!tpu.dma_semaphore, #tpu.memory_space<semaphore_mem>>)
        %add3A_166 = arith.constant 1 : i32
        %add3A_167 = arith.addi %add3A_144, %add3A_166 : i32
        %mul3A_168 = arith.constant 128 : i32
        %mul3A_169 = arith.muli %add3A_167, %mul3A_168 : i32
        %dma_wait3A_170 = arith.constant 0 : i32
        %dma_wait3A_171 = tpu.memref_slice %arg5[%dma_wait3A_170, %mul3A_169] : memref<2x5120xi32, #tpu.memory_space<vmem>> -> memref<1x128xi32, #tpu.memory_space<vmem>>
        %dma_wait3A_172 = tpu.memref_squeeze %dma_wait3A_171 : memref<1x128xi32, #tpu.memory_space<vmem>> -> memref<128xi32, #tpu.memory_space<vmem>>
        %dma_wait3A_173 = arith.constant 0 : i32
        %dma_wait3A_174 = arith.constant 0 : i32
        %dma_wait3A_175 = tpu.memref_slice %arg2[%dma_wait3A_173, %dma_wait3A_174] : memref<10000x128xf32, #tpu.memory_space<hbm>> -> memref<10000x128xf32, #tpu.memory_space<hbm>>
        tpu.wait_indirect_dma semaphore(%arg10 : memref<!tpu.dma_semaphore, #tpu.memory_space<semaphore_mem>>) src(%dma_wait3A_175 : memref<10000x128xf32, #tpu.memory_space<hbm>>) dst(%arg7 : memref<128x128xf32, #tpu.memory_space<vmem>>)
        %add3A_176 = arith.constant 1 : i32
        %add3A_177 = arith.addi %add3A_144, %add3A_176 : i32
        %mul3A_178 = arith.constant 128 : i32
        %mul3A_179 = arith.muli %add3A_177, %mul3A_178 : i32
        %run_scoped3A_180 = arith.constant 1 : i32
        "tpu.region"() ({
          %run_scoped3A_191 = tpu.sem_alloc : memref<!tpu.dma_semaphore, #tpu.memory_space<semaphore_mem>>
          %dma_start3A_192 = tpu.memref_slice %arg5[%run_scoped3A_180, %mul3A_179] : memref<2x5120xi32, #tpu.memory_space<vmem>> -> memref<1x128xi32, #tpu.memory_space<vmem>>
          %dma_start3A_193 = tpu.memref_squeeze %dma_start3A_192 : memref<1x128xi32, #tpu.memory_space<vmem>> -> memref<128xi32, #tpu.memory_space<vmem>>
          %dma_start3A_194 = arith.constant 0 : i32
          %dma_start3A_195 = arith.constant 0 : i32
          %dma_start3A_196 = tpu.memref_slice %arg8[%dma_start3A_194, %dma_start3A_195] : memref<10240x128xf32, #tpu.memory_space<vmem_shared>> -> memref<10240x128xf32, #tpu.memory_space<vmem_shared>>
          tpu.enqueue_indirect_dma source(%arg7 : memref<128x128xf32, #tpu.memory_space<vmem>>) target(%dma_start3A_196 : memref<10240x128xf32, #tpu.memory_space<vmem_shared>>) offsets(%dma_start3A_193 : memref<128xi32, #tpu.memory_space<vmem>>) semaphore(%run_scoped3A_191 : memref<!tpu.dma_semaphore, #tpu.memory_space<semaphore_mem>>) {add = true}
          %dma_wait3A_197 = tpu.memref_slice %arg5[%run_scoped3A_180, %mul3A_179] : memref<2x5120xi32, #tpu.memory_space<vmem>> -> memref<1x128xi32, #tpu.memory_space<vmem>>
          %dma_wait3A_198 = tpu.memref_squeeze %dma_wait3A_197 : memref<1x128xi32, #tpu.memory_space<vmem>> -> memref<128xi32, #tpu.memory_space<vmem>>
          %dma_wait3A_199 = arith.constant 0 : i32
          %dma_wait3A_200 = arith.constant 0 : i32
          %dma_wait3A_201 = tpu.memref_slice %arg8[%dma_wait3A_199, %dma_wait3A_200] : memref<10240x128xf32, #tpu.memory_space<vmem_shared>> -> memref<10240x128xf32, #tpu.memory_space<vmem_shared>>
          tpu.wait_indirect_dma semaphore(%run_scoped3A_191 : memref<!tpu.dma_semaphore, #tpu.memory_space<semaphore_mem>>) src(%arg7 : memref<128x128xf32, #tpu.memory_space<vmem>>) dst(%dma_wait3A_201 : memref<10240x128xf32, #tpu.memory_space<vmem_shared>>)
          tpu.yield
        }) : () -> ()
        %add3A_181 = arith.constant 3 : i32
        %add3A_182 = arith.addi %add3A_144, %add3A_181 : i32
        %mul3A_183 = arith.constant 128 : i32
        %mul3A_184 = arith.muli %add3A_182, %mul3A_183 : i32
        %dma_start3A_185 = arith.constant 0 : i32
        %dma_start3A_186 = tpu.memref_slice %arg5[%dma_start3A_185, %mul3A_184] : memref<2x5120xi32, #tpu.memory_space<vmem>> -> memref<1x128xi32, #tpu.memory_space<vmem>>
        %dma_start3A_187 = tpu.memref_squeeze %dma_start3A_186 : memref<1x128xi32, #tpu.memory_space<vmem>> -> memref<128xi32, #tpu.memory_space<vmem>>
        %dma_start3A_188 = arith.constant 0 : i32
        %dma_start3A_189 = arith.constant 0 : i32
        %dma_start3A_190 = tpu.memref_slice %arg2[%dma_start3A_188, %dma_start3A_189] : memref<10000x128xf32, #tpu.memory_space<hbm>> -> memref<10000x128xf32, #tpu.memory_space<hbm>>
        tpu.enqueue_indirect_dma source(%dma_start3A_190 : memref<10000x128xf32, #tpu.memory_space<hbm>>) target(%arg7 : memref<128x128xf32, #tpu.memory_space<vmem>>) offsets(%dma_start3A_187 : memref<128xi32, #tpu.memory_space<vmem>>) semaphore(%arg10 : memref<!tpu.dma_semaphore, #tpu.memory_space<semaphore_mem>>)
      }
      %scan3A_78 = arith.constant 19 : i32
      %dma_wait3A_79 = arith.constant 0 : i32
      %dma_wait3A_80 = arith.constant 4864 : i32
      %dma_wait3A_81 = tpu.memref_slice %arg5[%dma_wait3A_79, %dma_wait3A_80] : memref<2x5120xi32, #tpu.memory_space<vmem>> -> memref<1x128xi32, #tpu.memory_space<vmem>>
      %dma_wait3A_82 = tpu.memref_squeeze %dma_wait3A_81 : memref<1x128xi32, #tpu.memory_space<vmem>> -> memref<128xi32, #tpu.memory_space<vmem>>
      %dma_wait3A_83 = arith.constant 0 : i32
      %dma_wait3A_84 = arith.constant 0 : i32
      %dma_wait3A_85 = tpu.memref_slice %arg2[%dma_wait3A_83, %dma_wait3A_84] : memref<10000x128xf32, #tpu.memory_space<hbm>> -> memref<10000x128xf32, #tpu.memory_space<hbm>>
      tpu.wait_indirect_dma semaphore(%arg9 : memref<!tpu.dma_semaphore, #tpu.memory_space<semaphore_mem>>) src(%dma_wait3A_85 : memref<10000x128xf32, #tpu.memory_space<hbm>>) dst(%arg6 : memref<128x128xf32, #tpu.memory_space<vmem>>)
      %run_scoped3A = arith.constant 1 : i32
      "tpu.region"() ({
        %run_scoped3A_140 = tpu.sem_alloc : memref<!tpu.dma_semaphore, #tpu.memory_space<semaphore_mem>>
        %dma_start3A_141 = arith.constant 4864 : i32
        %dma_start3A_142 = tpu.memref_slice %arg5[%run_scoped3A, %dma_start3A_141] : memref<2x5120xi32, #tpu.memory_space<vmem>> -> memref<1x128xi32, #tpu.memory_space<vmem>>
        %dma_start3A_143 = tpu.memref_squeeze %dma_start3A_142 : memref<1x128xi32, #tpu.memory_space<vmem>> -> memref<128xi32, #tpu.memory_space<vmem>>
        %dma_start3A_144 = arith.constant 0 : i32
        %dma_start3A_145 = arith.constant 0 : i32
        %dma_start3A_146 = tpu.memref_slice %arg8[%dma_start3A_144, %dma_start3A_145] : memref<10240x128xf32, #tpu.memory_space<vmem_shared>> -> memref<10240x128xf32, #tpu.memory_space<vmem_shared>>
        tpu.enqueue_indirect_dma source(%arg6 : memref<128x128xf32, #tpu.memory_space<vmem>>) target(%dma_start3A_146 : memref<10240x128xf32, #tpu.memory_space<vmem_shared>>) offsets(%dma_start3A_143 : memref<128xi32, #tpu.memory_space<vmem>>) semaphore(%run_scoped3A_140 : memref<!tpu.dma_semaphore, #tpu.memory_space<semaphore_mem>>) {add = true}
        %dma_wait3A_147 = arith.constant 4864 : i32
        %dma_wait3A_148 = tpu.memref_slice %arg5[%run_scoped3A, %dma_wait3A_147] : memref<2x5120xi32, #tpu.memory_space<vmem>> -> memref<1x128xi32, #tpu.memory_space<vmem>>
        %dma_wait3A_149 = tpu.memref_squeeze %dma_wait3A_148 : memref<1x128xi32, #tpu.memory_space<vmem>> -> memref<128xi32, #tpu.memory_space<vmem>>
        %dma_wait3A_150 = arith.constant 0 : i32
        %dma_wait3A_151 = arith.constant 0 : i32
        %dma_wait3A_152 = tpu.memref_slice %arg8[%dma_wait3A_150, %dma_wait3A_151] : memref<10240x128xf32, #tpu.memory_space<vmem_shared>> -> memref<10240x128xf32, #tpu.memory_space<vmem_shared>>
        tpu.wait_indirect_dma semaphore(%run_scoped3A_140 : memref<!tpu.dma_semaphore, #tpu.memory_space<semaphore_mem>>) src(%arg6 : memref<128x128xf32, #tpu.memory_space<vmem>>) dst(%dma_wait3A_152 : memref<10240x128xf32, #tpu.memory_space<vmem_shared>>)
        tpu.yield
      }) : () -> ()
      %dma_wait3A_86 = arith.constant 0 : i32
      %dma_wait3A_87 = arith.constant 4992 : i32
      %dma_wait3A_88 = tpu.memref_slice %arg5[%dma_wait3A_86, %dma_wait3A_87] : memref<2x5120xi32, #tpu.memory_space<vmem>> -> memref<1x128xi32, #tpu.memory_space<vmem>>
      %dma_wait3A_89 = tpu.memref_squeeze %dma_wait3A_88 : memref<1x128xi32, #tpu.memory_space<vmem>> -> memref<128xi32, #tpu.memory_space<vmem>>
      %dma_wait3A_90 = arith.constant 0 : i32
      %dma_wait3A_91 = arith.constant 0 : i32
      %dma_wait3A_92 = tpu.memref_slice %arg2[%dma_wait3A_90, %dma_wait3A_91] : memref<10000x128xf32, #tpu.memory_space<hbm>> -> memref<10000x128xf32, #tpu.memory_space<hbm>>
      tpu.wait_indirect_dma semaphore(%arg10 : memref<!tpu.dma_semaphore, #tpu.memory_space<semaphore_mem>>) src(%dma_wait3A_92 : memref<10000x128xf32, #tpu.memory_space<hbm>>) dst(%arg7 : memref<128x128xf32, #tpu.memory_space<vmem>>)
      %run_scoped3A_93 = arith.constant 1 : i32
      "tpu.region"() ({
        %run_scoped3A_140 = tpu.sem_alloc : memref<!tpu.dma_semaphore, #tpu.memory_space<semaphore_mem>>
        %dma_start3A_141 = arith.constant 4992 : i32
        %dma_start3A_142 = tpu.memref_slice %arg5[%run_scoped3A_93, %dma_start3A_141] : memref<2x5120xi32, #tpu.memory_space<vmem>> -> memref<1x128xi32, #tpu.memory_space<vmem>>
        %dma_start3A_143 = tpu.memref_squeeze %dma_start3A_142 : memref<1x128xi32, #tpu.memory_space<vmem>> -> memref<128xi32, #tpu.memory_space<vmem>>
        %dma_start3A_144 = arith.constant 0 : i32
        %dma_start3A_145 = arith.constant 0 : i32
        %dma_start3A_146 = tpu.memref_slice %arg8[%dma_start3A_144, %dma_start3A_145] : memref<10240x128xf32, #tpu.memory_space<vmem_shared>> -> memref<10240x128xf32, #tpu.memory_space<vmem_shared>>
        tpu.enqueue_indirect_dma source(%arg7 : memref<128x128xf32, #tpu.memory_space<vmem>>) target(%dma_start3A_146 : memref<10240x128xf32, #tpu.memory_space<vmem_shared>>) offsets(%dma_start3A_143 : memref<128xi32, #tpu.memory_space<vmem>>) semaphore(%run_scoped3A_140 : memref<!tpu.dma_semaphore, #tpu.memory_space<semaphore_mem>>) {add = true}
        %dma_wait3A_147 = arith.constant 4992 : i32
        %dma_wait3A_148 = tpu.memref_slice %arg5[%run_scoped3A_93, %dma_wait3A_147] : memref<2x5120xi32, #tpu.memory_space<vmem>> -> memref<1x128xi32, #tpu.memory_space<vmem>>
        %dma_wait3A_149 = tpu.memref_squeeze %dma_wait3A_148 : memref<1x128xi32, #tpu.memory_space<vmem>> -> memref<128xi32, #tpu.memory_space<vmem>>
        %dma_wait3A_150 = arith.constant 0 : i32
        %dma_wait3A_151 = arith.constant 0 : i32
        %dma_wait3A_152 = tpu.memref_slice %arg8[%dma_wait3A_150, %dma_wait3A_151] : memref<10240x128xf32, #tpu.memory_space<vmem_shared>> -> memref<10240x128xf32, #tpu.memory_space<vmem_shared>>
        tpu.wait_indirect_dma semaphore(%run_scoped3A_140 : memref<!tpu.dma_semaphore, #tpu.memory_space<semaphore_mem>>) src(%arg7 : memref<128x128xf32, #tpu.memory_space<vmem>>) dst(%dma_wait3A_152 : memref<10240x128xf32, #tpu.memory_space<vmem_shared>>)
        tpu.yield
      }) : () -> ()
      %add3A_94 = arith.constant 5120 : i32
      %add3A_95 = arith.addi %min3A_3, %add3A_94 : i32
      %dma_start3A_96 = arith.constant 0 : i32
      %dma_start3A_97 = tpu.memref_slice %arg3[%dma_start3A_96, %add3A_95] : memref<2x320000xi32, #tpu.memory_space<hbm>> -> memref<2x5120xi32, #tpu.memory_space<hbm>>
      %dma_start3A_98 = arith.constant 0 : i32
      %dma_start3A_99 = tpu.memref_slice %arg3[%dma_start3A_98, %add3A_95] : memref<2x320000xi32, #tpu.memory_space<hbm>> -> memref<2x5120xi32, #tpu.memory_space<hbm>>
      tpu.enqueue_dma source(%dma_start3A_99 : memref<2x5120xi32, #tpu.memory_space<hbm>>) target(%arg5 : memref<2x5120xi32, #tpu.memory_space<vmem>>) target_semaphore(%arg13 : memref<!tpu.dma_semaphore, #tpu.memory_space<semaphore_mem>>)
      %dma_wait3A_100 = arith.constant 0 : i32
      %dma_wait3A_101 = tpu.memref_slice %arg3[%dma_wait3A_100, %add3A_95] : memref<2x320000xi32, #tpu.memory_space<hbm>> -> memref<2x5120xi32, #tpu.memory_space<hbm>>
      %dma_wait3A_102 = arith.constant 0 : i32
      %dma_wait3A_103 = tpu.memref_slice %arg3[%dma_wait3A_102, %add3A_95] : memref<2x320000xi32, #tpu.memory_space<hbm>> -> memref<2x5120xi32, #tpu.memory_space<hbm>>
      tpu.wait_dma2 semaphore(%arg13 : memref<!tpu.dma_semaphore, #tpu.memory_space<semaphore_mem>>) src(%dma_wait3A_103 : memref<2x5120xi32, #tpu.memory_space<hbm>>) dst(%arg5 : memref<2x5120xi32, #tpu.memory_space<vmem>>)
      %dma_start3A_104 = arith.constant 0 : i32
      %dma_start3A_105 = arith.constant 0 : i32
      %dma_start3A_106 = tpu.memref_slice %arg5[%dma_start3A_104, %dma_start3A_105] : memref<2x5120xi32, #tpu.memory_space<vmem>> -> memref<1x128xi32, #tpu.memory_space<vmem>>
      %dma_start3A_107 = tpu.memref_squeeze %dma_start3A_106 : memref<1x128xi32, #tpu.memory_space<vmem>> -> memref<128xi32, #tpu.memory_space<vmem>>
      %dma_start3A_108 = arith.constant 0 : i32
      %dma_start3A_109 = arith.constant 0 : i32
      %dma_start3A_110 = tpu.memref_slice %arg2[%dma_start3A_108, %dma_start3A_109] : memref<10000x128xf32, #tpu.memory_space<hbm>> -> memref<10000x128xf32, #tpu.memory_space<hbm>>
      tpu.enqueue_indirect_dma source(%dma_start3A_110 : memref<10000x128xf32, #tpu.memory_space<hbm>>) target(%arg6 : memref<128x128xf32, #tpu.memory_space<vmem>>) offsets(%dma_start3A_107 : memref<128xi32, #tpu.memory_space<vmem>>) semaphore(%arg9 : memref<!tpu.dma_semaphore, #tpu.memory_space<semaphore_mem>>)
      %dma_start3A_111 = arith.constant 0 : i32
      %dma_start3A_112 = arith.constant 128 : i32
      %dma_start3A_113 = tpu.memref_slice %arg5[%dma_start3A_111, %dma_start3A_112] : memref<2x5120xi32, #tpu.memory_space<vmem>> -> memref<1x128xi32, #tpu.memory_space<vmem>>
      %dma_start3A_114 = tpu.memref_squeeze %dma_start3A_113 : memref<1x128xi32, #tpu.memory_space<vmem>> -> memref<128xi32, #tpu.memory_space<vmem>>
      %dma_start3A_115 = arith.constant 0 : i32
      %dma_start3A_116 = arith.constant 0 : i32
      %dma_start3A_117 = tpu.memref_slice %arg2[%dma_start3A_115, %dma_start3A_116] : memref<10000x128xf32, #tpu.memory_space<hbm>> -> memref<10000x128xf32, #tpu.memory_space<hbm>>
      tpu.enqueue_indirect_dma source(%dma_start3A_117 : memref<10000x128xf32, #tpu.memory_space<hbm>>) target(%arg7 : memref<128x128xf32, #tpu.memory_space<vmem>>) offsets(%dma_start3A_114 : memref<128xi32, #tpu.memory_space<vmem>>) semaphore(%arg10 : memref<!tpu.dma_semaphore, #tpu.memory_space<semaphore_mem>>)
      %scan3A_118 = arith.constant 0 : i32
      %scan3A_119 = arith.constant 0 : i32
      %scan3A_120 = arith.constant 19 : i32
      %scan3A_121 = arith.addi %scan3A_119, %scan3A_120 : i32
      %scan3A_122 = arith.constant 1 : i32
      scf.for %scan3A_140 = %scan3A_119 to %scan3A_121 step %scan3A_122  : i32 {
        %mul3A_141 = arith.constant 2 : i32
        %mul3A_142 = arith.muli %mul3A_141, %scan3A_140 : i32
        %add3A_143 = arith.constant 0 : i32
        %add3A_144 = arith.addi %add3A_143, %mul3A_142 : i32
        %mul3A_145 = arith.constant 128 : i32
        %mul3A_146 = arith.muli %add3A_144, %mul3A_145 : i32
        %dma_wait3A_147 = arith.constant 0 : i32
        %dma_wait3A_148 = tpu.memref_slice %arg5[%dma_wait3A_147, %mul3A_146] : memref<2x5120xi32, #tpu.memory_space<vmem>> -> memref<1x128xi32, #tpu.memory_space<vmem>>
        %dma_wait3A_149 = tpu.memref_squeeze %dma_wait3A_148 : memref<1x128xi32, #tpu.memory_space<vmem>> -> memref<128xi32, #tpu.memory_space<vmem>>
        %dma_wait3A_150 = arith.constant 0 : i32
        %dma_wait3A_151 = arith.constant 0 : i32
        %dma_wait3A_152 = tpu.memref_slice %arg2[%dma_wait3A_150, %dma_wait3A_151] : memref<10000x128xf32, #tpu.memory_space<hbm>> -> memref<10000x128xf32, #tpu.memory_space<hbm>>
        tpu.wait_indirect_dma semaphore(%arg9 : memref<!tpu.dma_semaphore, #tpu.memory_space<semaphore_mem>>) src(%dma_wait3A_152 : memref<10000x128xf32, #tpu.memory_space<hbm>>) dst(%arg6 : memref<128x128xf32, #tpu.memory_space<vmem>>)
        %mul3A_153 = arith.constant 128 : i32
        %mul3A_154 = arith.muli %add3A_144, %mul3A_153 : i32
        %run_scoped3A_155 = arith.constant 1 : i32
        "tpu.region"() ({
          %run_scoped3A_191 = tpu.sem_alloc : memref<!tpu.dma_semaphore, #tpu.memory_space<semaphore_mem>>
          %dma_start3A_192 = tpu.memref_slice %arg5[%run_scoped3A_155, %mul3A_154] : memref<2x5120xi32, #tpu.memory_space<vmem>> -> memref<1x128xi32, #tpu.memory_space<vmem>>
          %dma_start3A_193 = tpu.memref_squeeze %dma_start3A_192 : memref<1x128xi32, #tpu.memory_space<vmem>> -> memref<128xi32, #tpu.memory_space<vmem>>
          %dma_start3A_194 = arith.constant 0 : i32
          %dma_start3A_195 = arith.constant 0 : i32
          %dma_start3A_196 = tpu.memref_slice %arg8[%dma_start3A_194, %dma_start3A_195] : memref<10240x128xf32, #tpu.memory_space<vmem_shared>> -> memref<10240x128xf32, #tpu.memory_space<vmem_shared>>
          tpu.enqueue_indirect_dma source(%arg6 : memref<128x128xf32, #tpu.memory_space<vmem>>) target(%dma_start3A_196 : memref<10240x128xf32, #tpu.memory_space<vmem_shared>>) offsets(%dma_start3A_193 : memref<128xi32, #tpu.memory_space<vmem>>) semaphore(%run_scoped3A_191 : memref<!tpu.dma_semaphore, #tpu.memory_space<semaphore_mem>>) {add = true}
          %dma_wait3A_197 = tpu.memref_slice %arg5[%run_scoped3A_155, %mul3A_154] : memref<2x5120xi32, #tpu.memory_space<vmem>> -> memref<1x128xi32, #tpu.memory_space<vmem>>
          %dma_wait3A_198 = tpu.memref_squeeze %dma_wait3A_197 : memref<1x128xi32, #tpu.memory_space<vmem>> -> memref<128xi32, #tpu.memory_space<vmem>>
          %dma_wait3A_199 = arith.constant 0 : i32
          %dma_wait3A_200 = arith.constant 0 : i32
          %dma_wait3A_201 = tpu.memref_slice %arg8[%dma_wait3A_199, %dma_wait3A_200] : memref<10240x128xf32, #tpu.memory_space<vmem_shared>> -> memref<10240x128xf32, #tpu.memory_space<vmem_shared>>
          tpu.wait_indirect_dma semaphore(%run_scoped3A_191 : memref<!tpu.dma_semaphore, #tpu.memory_space<semaphore_mem>>) src(%arg6 : memref<128x128xf32, #tpu.memory_space<vmem>>) dst(%dma_wait3A_201 : memref<10240x128xf32, #tpu.memory_space<vmem_shared>>)
          tpu.yield
        }) : () -> ()
        %add3A_156 = arith.constant 2 : i32
        %add3A_157 = arith.addi %add3A_144, %add3A_156 : i32
        %mul3A_158 = arith.constant 128 : i32
        %mul3A_159 = arith.muli %add3A_157, %mul3A_158 : i32
        %dma_start3A_160 = arith.constant 0 : i32
        %dma_start3A_161 = tpu.memref_slice %arg5[%dma_start3A_160, %mul3A_159] : memref<2x5120xi32, #tpu.memory_space<vmem>> -> memref<1x128xi32, #tpu.memory_space<vmem>>
        %dma_start3A_162 = tpu.memref_squeeze %dma_start3A_161 : memref<1x128xi32, #tpu.memory_space<vmem>> -> memref<128xi32, #tpu.memory_space<vmem>>
        %dma_start3A_163 = arith.constant 0 : i32
        %dma_start3A_164 = arith.constant 0 : i32
        %dma_start3A_165 = tpu.memref_slice %arg2[%dma_start3A_163, %dma_start3A_164] : memref<10000x128xf32, #tpu.memory_space<hbm>> -> memref<10000x128xf32, #tpu.memory_space<hbm>>
        tpu.enqueue_indirect_dma source(%dma_start3A_165 : memref<10000x128xf32, #tpu.memory_space<hbm>>) target(%arg6 : memref<128x128xf32, #tpu.memory_space<vmem>>) offsets(%dma_start3A_162 : memref<128xi32, #tpu.memory_space<vmem>>) semaphore(%arg9 : memref<!tpu.dma_semaphore, #tpu.memory_space<semaphore_mem>>)
        %add3A_166 = arith.constant 1 : i32
        %add3A_167 = arith.addi %add3A_144, %add3A_166 : i32
        %mul3A_168 = arith.constant 128 : i32
        %mul3A_169 = arith.muli %add3A_167, %mul3A_168 : i32
        %dma_wait3A_170 = arith.constant 0 : i32
        %dma_wait3A_171 = tpu.memref_slice %arg5[%dma_wait3A_170, %mul3A_169] : memref<2x5120xi32, #tpu.memory_space<vmem>> -> memref<1x128xi32, #tpu.memory_space<vmem>>
        %dma_wait3A_172 = tpu.memref_squeeze %dma_wait3A_171 : memref<1x128xi32, #tpu.memory_space<vmem>> -> memref<128xi32, #tpu.memory_space<vmem>>
        %dma_wait3A_173 = arith.constant 0 : i32
        %dma_wait3A_174 = arith.constant 0 : i32
        %dma_wait3A_175 = tpu.memref_slice %arg2[%dma_wait3A_173, %dma_wait3A_174] : memref<10000x128xf32, #tpu.memory_space<hbm>> -> memref<10000x128xf32, #tpu.memory_space<hbm>>
        tpu.wait_indirect_dma semaphore(%arg10 : memref<!tpu.dma_semaphore, #tpu.memory_space<semaphore_mem>>) src(%dma_wait3A_175 : memref<10000x128xf32, #tpu.memory_space<hbm>>) dst(%arg7 : memref<128x128xf32, #tpu.memory_space<vmem>>)
        %add3A_176 = arith.constant 1 : i32
        %add3A_177 = arith.addi %add3A_144, %add3A_176 : i32
        %mul3A_178 = arith.constant 128 : i32
        %mul3A_179 = arith.muli %add3A_177, %mul3A_178 : i32
        %run_scoped3A_180 = arith.constant 1 : i32
        "tpu.region"() ({
          %run_scoped3A_191 = tpu.sem_alloc : memref<!tpu.dma_semaphore, #tpu.memory_space<semaphore_mem>>
          %dma_start3A_192 = tpu.memref_slice %arg5[%run_scoped3A_180, %mul3A_179] : memref<2x5120xi32, #tpu.memory_space<vmem>> -> memref<1x128xi32, #tpu.memory_space<vmem>>
          %dma_start3A_193 = tpu.memref_squeeze %dma_start3A_192 : memref<1x128xi32, #tpu.memory_space<vmem>> -> memref<128xi32, #tpu.memory_space<vmem>>
          %dma_start3A_194 = arith.constant 0 : i32
          %dma_start3A_195 = arith.constant 0 : i32
          %dma_start3A_196 = tpu.memref_slice %arg8[%dma_start3A_194, %dma_start3A_195] : memref<10240x128xf32, #tpu.memory_space<vmem_shared>> -> memref<10240x128xf32, #tpu.memory_space<vmem_shared>>
          tpu.enqueue_indirect_dma source(%arg7 : memref<128x128xf32, #tpu.memory_space<vmem>>) target(%dma_start3A_196 : memref<10240x128xf32, #tpu.memory_space<vmem_shared>>) offsets(%dma_start3A_193 : memref<128xi32, #tpu.memory_space<vmem>>) semaphore(%run_scoped3A_191 : memref<!tpu.dma_semaphore, #tpu.memory_space<semaphore_mem>>) {add = true}
          %dma_wait3A_197 = tpu.memref_slice %arg5[%run_scoped3A_180, %mul3A_179] : memref<2x5120xi32, #tpu.memory_space<vmem>> -> memref<1x128xi32, #tpu.memory_space<vmem>>
          %dma_wait3A_198 = tpu.memref_squeeze %dma_wait3A_197 : memref<1x128xi32, #tpu.memory_space<vmem>> -> memref<128xi32, #tpu.memory_space<vmem>>
          %dma_wait3A_199 = arith.constant 0 : i32
          %dma_wait3A_200 = arith.constant 0 : i32
          %dma_wait3A_201 = tpu.memref_slice %arg8[%dma_wait3A_199, %dma_wait3A_200] : memref<10240x128xf32, #tpu.memory_space<vmem_shared>> -> memref<10240x128xf32, #tpu.memory_space<vmem_shared>>
          tpu.wait_indirect_dma semaphore(%run_scoped3A_191 : memref<!tpu.dma_semaphore, #tpu.memory_space<semaphore_mem>>) src(%arg7 : memref<128x128xf32, #tpu.memory_space<vmem>>) dst(%dma_wait3A_201 : memref<10240x128xf32, #tpu.memory_space<vmem_shared>>)
          tpu.yield
        }) : () -> ()
        %add3A_181 = arith.constant 3 : i32
        %add3A_182 = arith.addi %add3A_144, %add3A_181 : i32
        %mul3A_183 = arith.constant 128 : i32
        %mul3A_184 = arith.muli %add3A_182, %mul3A_183 : i32
        %dma_start3A_185 = arith.constant 0 : i32
        %dma_start3A_186 = tpu.memref_slice %arg5[%dma_start3A_185, %mul3A_184] : memref<2x5120xi32, #tpu.memory_space<vmem>> -> memref<1x128xi32, #tpu.memory_space<vmem>>
        %dma_start3A_187 = tpu.memref_squeeze %dma_start3A_186 : memref<1x128xi32, #tpu.memory_space<vmem>> -> memref<128xi32, #tpu.memory_space<vmem>>
        %dma_start3A_188 = arith.constant 0 : i32
        %dma_start3A_189 = arith.constant 0 : i32
        %dma_start3A_190 = tpu.memref_slice %arg2[%dma_start3A_188, %dma_start3A_189] : memref<10000x128xf32, #tpu.memory_space<hbm>> -> memref<10000x128xf32, #tpu.memory_space<hbm>>
        tpu.enqueue_indirect_dma source(%dma_start3A_190 : memref<10000x128xf32, #tpu.memory_space<hbm>>) target(%arg7 : memref<128x128xf32, #tpu.memory_space<vmem>>) offsets(%dma_start3A_187 : memref<128xi32, #tpu.memory_space<vmem>>) semaphore(%arg10 : memref<!tpu.dma_semaphore, #tpu.memory_space<semaphore_mem>>)
      }
      %scan3A_123 = arith.constant 19 : i32
      %dma_wait3A_124 = arith.constant 0 : i32
      %dma_wait3A_125 = arith.constant 4864 : i32
      %dma_wait3A_126 = tpu.memref_slice %arg5[%dma_wait3A_124, %dma_wait3A_125] : memref<2x5120xi32, #tpu.memory_space<vmem>> -> memref<1x128xi32, #tpu.memory_space<vmem>>
      %dma_wait3A_127 = tpu.memref_squeeze %dma_wait3A_126 : memref<1x128xi32, #tpu.memory_space<vmem>> -> memref<128xi32, #tpu.memory_space<vmem>>
      %dma_wait3A_128 = arith.constant 0 : i32
      %dma_wait3A_129 = arith.constant 0 : i32
      %dma_wait3A_130 = tpu.memref_slice %arg2[%dma_wait3A_128, %dma_wait3A_129] : memref<10000x128xf32, #tpu.memory_space<hbm>> -> memref<10000x128xf32, #tpu.memory_space<hbm>>
      tpu.wait_indirect_dma semaphore(%arg9 : memref<!tpu.dma_semaphore, #tpu.memory_space<semaphore_mem>>) src(%dma_wait3A_130 : memref<10000x128xf32, #tpu.memory_space<hbm>>) dst(%arg6 : memref<128x128xf32, #tpu.memory_space<vmem>>)
      %run_scoped3A_131 = arith.constant 1 : i32
      "tpu.region"() ({
        %run_scoped3A_140 = tpu.sem_alloc : memref<!tpu.dma_semaphore, #tpu.memory_space<semaphore_mem>>
        %dma_start3A_141 = arith.constant 4864 : i32
        %dma_start3A_142 = tpu.memref_slice %arg5[%run_scoped3A_131, %dma_start3A_141] : memref<2x5120xi32, #tpu.memory_space<vmem>> -> memref<1x128xi32, #tpu.memory_space<vmem>>
        %dma_start3A_143 = tpu.memref_squeeze %dma_start3A_142 : memref<1x128xi32, #tpu.memory_space<vmem>> -> memref<128xi32, #tpu.memory_space<vmem>>
        %dma_start3A_144 = arith.constant 0 : i32
        %dma_start3A_145 = arith.constant 0 : i32
        %dma_start3A_146 = tpu.memref_slice %arg8[%dma_start3A_144, %dma_start3A_145] : memref<10240x128xf32, #tpu.memory_space<vmem_shared>> -> memref<10240x128xf32, #tpu.memory_space<vmem_shared>>
        tpu.enqueue_indirect_dma source(%arg6 : memref<128x128xf32, #tpu.memory_space<vmem>>) target(%dma_start3A_146 : memref<10240x128xf32, #tpu.memory_space<vmem_shared>>) offsets(%dma_start3A_143 : memref<128xi32, #tpu.memory_space<vmem>>) semaphore(%run_scoped3A_140 : memref<!tpu.dma_semaphore, #tpu.memory_space<semaphore_mem>>) {add = true}
        %dma_wait3A_147 = arith.constant 4864 : i32
        %dma_wait3A_148 = tpu.memref_slice %arg5[%run_scoped3A_131, %dma_wait3A_147] : memref<2x5120xi32, #tpu.memory_space<vmem>> -> memref<1x128xi32, #tpu.memory_space<vmem>>
        %dma_wait3A_149 = tpu.memref_squeeze %dma_wait3A_148 : memref<1x128xi32, #tpu.memory_space<vmem>> -> memref<128xi32, #tpu.memory_space<vmem>>
        %dma_wait3A_150 = arith.constant 0 : i32
        %dma_wait3A_151 = arith.constant 0 : i32
        %dma_wait3A_152 = tpu.memref_slice %arg8[%dma_wait3A_150, %dma_wait3A_151] : memref<10240x128xf32, #tpu.memory_space<vmem_shared>> -> memref<10240x128xf32, #tpu.memory_space<vmem_shared>>
        tpu.wait_indirect_dma semaphore(%run_scoped3A_140 : memref<!tpu.dma_semaphore, #tpu.memory_space<semaphore_mem>>) src(%arg6 : memref<128x128xf32, #tpu.memory_space<vmem>>) dst(%dma_wait3A_152 : memref<10240x128xf32, #tpu.memory_space<vmem_shared>>)
        tpu.yield
      }) : () -> ()
      %dma_wait3A_132 = arith.constant 0 : i32
      %dma_wait3A_133 = arith.constant 4992 : i32
      %dma_wait3A_134 = tpu.memref_slice %arg5[%dma_wait3A_132, %dma_wait3A_133] : memref<2x5120xi32, #tpu.memory_space<vmem>> -> memref<1x128xi32, #tpu.memory_space<vmem>>
      %dma_wait3A_135 = tpu.memref_squeeze %dma_wait3A_134 : memref<1x128xi32, #tpu.memory_space<vmem>> -> memref<128xi32, #tpu.memory_space<vmem>>
      %dma_wait3A_136 = arith.constant 0 : i32
      %dma_wait3A_137 = arith.constant 0 : i32
      %dma_wait3A_138 = tpu.memref_slice %arg2[%dma_wait3A_136, %dma_wait3A_137] : memref<10000x128xf32, #tpu.memory_space<hbm>> -> memref<10000x128xf32, #tpu.memory_space<hbm>>
      tpu.wait_indirect_dma semaphore(%arg10 : memref<!tpu.dma_semaphore, #tpu.memory_space<semaphore_mem>>) src(%dma_wait3A_138 : memref<10000x128xf32, #tpu.memory_space<hbm>>) dst(%arg7 : memref<128x128xf32, #tpu.memory_space<vmem>>)
      %run_scoped3A_139 = arith.constant 1 : i32
      "tpu.region"() ({
        %run_scoped3A_140 = tpu.sem_alloc : memref<!tpu.dma_semaphore, #tpu.memory_space<semaphore_mem>>
        %dma_start3A_141 = arith.constant 4992 : i32
        %dma_start3A_142 = tpu.memref_slice %arg5[%run_scoped3A_139, %dma_start3A_141] : memref<2x5120xi32, #tpu.memory_space<vmem>> -> memref<1x128xi32, #tpu.memory_space<vmem>>
        %dma_start3A_143 = tpu.memref_squeeze %dma_start3A_142 : memref<1x128xi32, #tpu.memory_space<vmem>> -> memref<128xi32, #tpu.memory_space<vmem>>
        %dma_start3A_144 = arith.constant 0 : i32
        %dma_start3A_145 = arith.constant 0 : i32
        %dma_start3A_146 = tpu.memref_slice %arg8[%dma_start3A_144, %dma_start3A_145] : memref<10240x128xf32, #tpu.memory_space<vmem_shared>> -> memref<10240x128xf32, #tpu.memory_space<vmem_shared>>
        tpu.enqueue_indirect_dma source(%arg7 : memref<128x128xf32, #tpu.memory_space<vmem>>) target(%dma_start3A_146 : memref<10240x128xf32, #tpu.memory_space<vmem_shared>>) offsets(%dma_start3A_143 : memref<128xi32, #tpu.memory_space<vmem>>) semaphore(%run_scoped3A_140 : memref<!tpu.dma_semaphore, #tpu.memory_space<semaphore_mem>>) {add = true}
        %dma_wait3A_147 = arith.constant 4992 : i32
        %dma_wait3A_148 = tpu.memref_slice %arg5[%run_scoped3A_139, %dma_wait3A_147] : memref<2x5120xi32, #tpu.memory_space<vmem>> -> memref<1x128xi32, #tpu.memory_space<vmem>>
        %dma_wait3A_149 = tpu.memref_squeeze %dma_wait3A_148 : memref<1x128xi32, #tpu.memory_space<vmem>> -> memref<128xi32, #tpu.memory_space<vmem>>
        %dma_wait3A_150 = arith.constant 0 : i32
        %dma_wait3A_151 = arith.constant 0 : i32
        %dma_wait3A_152 = tpu.memref_slice %arg8[%dma_wait3A_150, %dma_wait3A_151] : memref<10240x128xf32, #tpu.memory_space<vmem_shared>> -> memref<10240x128xf32, #tpu.memory_space<vmem_shared>>
        tpu.wait_indirect_dma semaphore(%run_scoped3A_140 : memref<!tpu.dma_semaphore, #tpu.memory_space<semaphore_mem>>) src(%arg7 : memref<128x128xf32, #tpu.memory_space<vmem>>) dst(%dma_wait3A_152 : memref<10240x128xf32, #tpu.memory_space<vmem_shared>>)
        tpu.yield
      }) : () -> ()
    } else {
    }
    %eq3A = arith.constant 31 : i32
    %eq3A_54 = arith.cmpi eq, %add3A, %eq3A : i32
    %convert_element_type3A_55 = arith.extui %eq3A_54 : i1 to i32
    %cond3A_56 = arith.constant 0 : i32
    %cond3A_57 = arith.cmpi ne, %convert_element_type3A_55, %cond3A_56 : i32
    scf.if %cond3A_57 {
      %dma_start3A_59 = arith.constant 0 : i32
      %dma_start3A_60 = arith.constant 2560 : i32
      %dma_start3A_61 = tpu.memref_slice %arg5[%dma_start3A_59, %dma_start3A_60] : memref<2x5120xi32, #tpu.memory_space<vmem>> -> memref<1x128xi32, #tpu.memory_space<vmem>>
      %dma_start3A_62 = tpu.memref_squeeze %dma_start3A_61 : memref<1x128xi32, #tpu.memory_space<vmem>> -> memref<128xi32, #tpu.memory_space<vmem>>
      %dma_start3A_63 = arith.constant 0 : i32
      %dma_start3A_64 = arith.constant 0 : i32
      %dma_start3A_65 = tpu.memref_slice %arg2[%dma_start3A_63, %dma_start3A_64] : memref<10000x128xf32, #tpu.memory_space<hbm>> -> memref<10000x128xf32, #tpu.memory_space<hbm>>
      tpu.enqueue_indirect_dma source(%dma_start3A_65 : memref<10000x128xf32, #tpu.memory_space<hbm>>) target(%arg6 : memref<128x128xf32, #tpu.memory_space<vmem>>) offsets(%dma_start3A_62 : memref<128xi32, #tpu.memory_space<vmem>>) semaphore(%arg9 : memref<!tpu.dma_semaphore, #tpu.memory_space<semaphore_mem>>)
      %dma_start3A_66 = arith.constant 0 : i32
      %dma_start3A_67 = arith.constant 2688 : i32
      %dma_start3A_68 = tpu.memref_slice %arg5[%dma_start3A_66, %dma_start3A_67] : memref<2x5120xi32, #tpu.memory_space<vmem>> -> memref<1x128xi32, #tpu.memory_space<vmem>>
      %dma_start3A_69 = tpu.memref_squeeze %dma_start3A_68 : memref<1x128xi32, #tpu.memory_space<vmem>> -> memref<128xi32, #tpu.memory_space<vmem>>
      %dma_start3A_70 = arith.constant 0 : i32
      %dma_start3A_71 = arith.constant 0 : i32
      %dma_start3A_72 = tpu.memref_slice %arg2[%dma_start3A_70, %dma_start3A_71] : memref<10000x128xf32, #tpu.memory_space<hbm>> -> memref<10000x128xf32, #tpu.memory_space<hbm>>
      tpu.enqueue_indirect_dma source(%dma_start3A_72 : memref<10000x128xf32, #tpu.memory_space<hbm>>) target(%arg7 : memref<128x128xf32, #tpu.memory_space<vmem>>) offsets(%dma_start3A_69 : memref<128xi32, #tpu.memory_space<vmem>>) semaphore(%arg10 : memref<!tpu.dma_semaphore, #tpu.memory_space<semaphore_mem>>)
      %scan3A_73 = arith.constant 0 : i32
      %scan3A_74 = arith.constant 0 : i32
      %scan3A_75 = arith.constant 9 : i32
      %scan3A_76 = arith.addi %scan3A_74, %scan3A_75 : i32
      %scan3A_77 = arith.constant 1 : i32
      scf.for %scan3A_94 = %scan3A_74 to %scan3A_76 step %scan3A_77  : i32 {
        %mul3A_95 = arith.constant 2 : i32
        %mul3A_96 = arith.muli %mul3A_95, %scan3A_94 : i32
        %add3A_97 = arith.constant 20 : i32
        %add3A_98 = arith.addi %add3A_97, %mul3A_96 : i32
        %mul3A_99 = arith.constant 128 : i32
        %mul3A_100 = arith.muli %add3A_98, %mul3A_99 : i32
        %dma_wait3A_101 = arith.constant 0 : i32
        %dma_wait3A_102 = tpu.memref_slice %arg5[%dma_wait3A_101, %mul3A_100] : memref<2x5120xi32, #tpu.memory_space<vmem>> -> memref<1x128xi32, #tpu.memory_space<vmem>>
        %dma_wait3A_103 = tpu.memref_squeeze %dma_wait3A_102 : memref<1x128xi32, #tpu.memory_space<vmem>> -> memref<128xi32, #tpu.memory_space<vmem>>
        %dma_wait3A_104 = arith.constant 0 : i32
        %dma_wait3A_105 = arith.constant 0 : i32
        %dma_wait3A_106 = tpu.memref_slice %arg2[%dma_wait3A_104, %dma_wait3A_105] : memref<10000x128xf32, #tpu.memory_space<hbm>> -> memref<10000x128xf32, #tpu.memory_space<hbm>>
        tpu.wait_indirect_dma semaphore(%arg9 : memref<!tpu.dma_semaphore, #tpu.memory_space<semaphore_mem>>) src(%dma_wait3A_106 : memref<10000x128xf32, #tpu.memory_space<hbm>>) dst(%arg6 : memref<128x128xf32, #tpu.memory_space<vmem>>)
        %mul3A_107 = arith.constant 128 : i32
        %mul3A_108 = arith.muli %add3A_98, %mul3A_107 : i32
        %run_scoped3A_109 = arith.constant 1 : i32
        "tpu.region"() ({
          %run_scoped3A_145 = tpu.sem_alloc : memref<!tpu.dma_semaphore, #tpu.memory_space<semaphore_mem>>
          %dma_start3A_146 = tpu.memref_slice %arg5[%run_scoped3A_109, %mul3A_108] : memref<2x5120xi32, #tpu.memory_space<vmem>> -> memref<1x128xi32, #tpu.memory_space<vmem>>
          %dma_start3A_147 = tpu.memref_squeeze %dma_start3A_146 : memref<1x128xi32, #tpu.memory_space<vmem>> -> memref<128xi32, #tpu.memory_space<vmem>>
          %dma_start3A_148 = arith.constant 0 : i32
          %dma_start3A_149 = arith.constant 0 : i32
          %dma_start3A_150 = tpu.memref_slice %arg8[%dma_start3A_148, %dma_start3A_149] : memref<10240x128xf32, #tpu.memory_space<vmem_shared>> -> memref<10240x128xf32, #tpu.memory_space<vmem_shared>>
          tpu.enqueue_indirect_dma source(%arg6 : memref<128x128xf32, #tpu.memory_space<vmem>>) target(%dma_start3A_150 : memref<10240x128xf32, #tpu.memory_space<vmem_shared>>) offsets(%dma_start3A_147 : memref<128xi32, #tpu.memory_space<vmem>>) semaphore(%run_scoped3A_145 : memref<!tpu.dma_semaphore, #tpu.memory_space<semaphore_mem>>) {add = true}
          %dma_wait3A_151 = tpu.memref_slice %arg5[%run_scoped3A_109, %mul3A_108] : memref<2x5120xi32, #tpu.memory_space<vmem>> -> memref<1x128xi32, #tpu.memory_space<vmem>>
          %dma_wait3A_152 = tpu.memref_squeeze %dma_wait3A_151 : memref<1x128xi32, #tpu.memory_space<vmem>> -> memref<128xi32, #tpu.memory_space<vmem>>
          %dma_wait3A_153 = arith.constant 0 : i32
          %dma_wait3A_154 = arith.constant 0 : i32
          %dma_wait3A_155 = tpu.memref_slice %arg8[%dma_wait3A_153, %dma_wait3A_154] : memref<10240x128xf32, #tpu.memory_space<vmem_shared>> -> memref<10240x128xf32, #tpu.memory_space<vmem_shared>>
          tpu.wait_indirect_dma semaphore(%run_scoped3A_145 : memref<!tpu.dma_semaphore, #tpu.memory_space<semaphore_mem>>) src(%arg6 : memref<128x128xf32, #tpu.memory_space<vmem>>) dst(%dma_wait3A_155 : memref<10240x128xf32, #tpu.memory_space<vmem_shared>>)
          tpu.yield
        }) : () -> ()
        %add3A_110 = arith.constant 2 : i32
        %add3A_111 = arith.addi %add3A_98, %add3A_110 : i32
        %mul3A_112 = arith.constant 128 : i32
        %mul3A_113 = arith.muli %add3A_111, %mul3A_112 : i32
        %dma_start3A_114 = arith.constant 0 : i32
        %dma_start3A_115 = tpu.memref_slice %arg5[%dma_start3A_114, %mul3A_113] : memref<2x5120xi32, #tpu.memory_space<vmem>> -> memref<1x128xi32, #tpu.memory_space<vmem>>
        %dma_start3A_116 = tpu.memref_squeeze %dma_start3A_115 : memref<1x128xi32, #tpu.memory_space<vmem>> -> memref<128xi32, #tpu.memory_space<vmem>>
        %dma_start3A_117 = arith.constant 0 : i32
        %dma_start3A_118 = arith.constant 0 : i32
        %dma_start3A_119 = tpu.memref_slice %arg2[%dma_start3A_117, %dma_start3A_118] : memref<10000x128xf32, #tpu.memory_space<hbm>> -> memref<10000x128xf32, #tpu.memory_space<hbm>>
        tpu.enqueue_indirect_dma source(%dma_start3A_119 : memref<10000x128xf32, #tpu.memory_space<hbm>>) target(%arg6 : memref<128x128xf32, #tpu.memory_space<vmem>>) offsets(%dma_start3A_116 : memref<128xi32, #tpu.memory_space<vmem>>) semaphore(%arg9 : memref<!tpu.dma_semaphore, #tpu.memory_space<semaphore_mem>>)
        %add3A_120 = arith.constant 1 : i32
        %add3A_121 = arith.addi %add3A_98, %add3A_120 : i32
        %mul3A_122 = arith.constant 128 : i32
        %mul3A_123 = arith.muli %add3A_121, %mul3A_122 : i32
        %dma_wait3A_124 = arith.constant 0 : i32
        %dma_wait3A_125 = tpu.memref_slice %arg5[%dma_wait3A_124, %mul3A_123] : memref<2x5120xi32, #tpu.memory_space<vmem>> -> memref<1x128xi32, #tpu.memory_space<vmem>>
        %dma_wait3A_126 = tpu.memref_squeeze %dma_wait3A_125 : memref<1x128xi32, #tpu.memory_space<vmem>> -> memref<128xi32, #tpu.memory_space<vmem>>
        %dma_wait3A_127 = arith.constant 0 : i32
        %dma_wait3A_128 = arith.constant 0 : i32
        %dma_wait3A_129 = tpu.memref_slice %arg2[%dma_wait3A_127, %dma_wait3A_128] : memref<10000x128xf32, #tpu.memory_space<hbm>> -> memref<10000x128xf32, #tpu.memory_space<hbm>>
        tpu.wait_indirect_dma semaphore(%arg10 : memref<!tpu.dma_semaphore, #tpu.memory_space<semaphore_mem>>) src(%dma_wait3A_129 : memref<10000x128xf32, #tpu.memory_space<hbm>>) dst(%arg7 : memref<128x128xf32, #tpu.memory_space<vmem>>)
        %add3A_130 = arith.constant 1 : i32
        %add3A_131 = arith.addi %add3A_98, %add3A_130 : i32
        %mul3A_132 = arith.constant 128 : i32
        %mul3A_133 = arith.muli %add3A_131, %mul3A_132 : i32
        %run_scoped3A_134 = arith.constant 1 : i32
        "tpu.region"() ({
          %run_scoped3A_145 = tpu.sem_alloc : memref<!tpu.dma_semaphore, #tpu.memory_space<semaphore_mem>>
          %dma_start3A_146 = tpu.memref_slice %arg5[%run_scoped3A_134, %mul3A_133] : memref<2x5120xi32, #tpu.memory_space<vmem>> -> memref<1x128xi32, #tpu.memory_space<vmem>>
          %dma_start3A_147 = tpu.memref_squeeze %dma_start3A_146 : memref<1x128xi32, #tpu.memory_space<vmem>> -> memref<128xi32, #tpu.memory_space<vmem>>
          %dma_start3A_148 = arith.constant 0 : i32
          %dma_start3A_149 = arith.constant 0 : i32
          %dma_start3A_150 = tpu.memref_slice %arg8[%dma_start3A_148, %dma_start3A_149] : memref<10240x128xf32, #tpu.memory_space<vmem_shared>> -> memref<10240x128xf32, #tpu.memory_space<vmem_shared>>
          tpu.enqueue_indirect_dma source(%arg7 : memref<128x128xf32, #tpu.memory_space<vmem>>) target(%dma_start3A_150 : memref<10240x128xf32, #tpu.memory_space<vmem_shared>>) offsets(%dma_start3A_147 : memref<128xi32, #tpu.memory_space<vmem>>) semaphore(%run_scoped3A_145 : memref<!tpu.dma_semaphore, #tpu.memory_space<semaphore_mem>>) {add = true}
          %dma_wait3A_151 = tpu.memref_slice %arg5[%run_scoped3A_134, %mul3A_133] : memref<2x5120xi32, #tpu.memory_space<vmem>> -> memref<1x128xi32, #tpu.memory_space<vmem>>
          %dma_wait3A_152 = tpu.memref_squeeze %dma_wait3A_151 : memref<1x128xi32, #tpu.memory_space<vmem>> -> memref<128xi32, #tpu.memory_space<vmem>>
          %dma_wait3A_153 = arith.constant 0 : i32
          %dma_wait3A_154 = arith.constant 0 : i32
          %dma_wait3A_155 = tpu.memref_slice %arg8[%dma_wait3A_153, %dma_wait3A_154] : memref<10240x128xf32, #tpu.memory_space<vmem_shared>> -> memref<10240x128xf32, #tpu.memory_space<vmem_shared>>
          tpu.wait_indirect_dma semaphore(%run_scoped3A_145 : memref<!tpu.dma_semaphore, #tpu.memory_space<semaphore_mem>>) src(%arg7 : memref<128x128xf32, #tpu.memory_space<vmem>>) dst(%dma_wait3A_155 : memref<10240x128xf32, #tpu.memory_space<vmem_shared>>)
          tpu.yield
        }) : () -> ()
        %add3A_135 = arith.constant 3 : i32
        %add3A_136 = arith.addi %add3A_98, %add3A_135 : i32
        %mul3A_137 = arith.constant 128 : i32
        %mul3A_138 = arith.muli %add3A_136, %mul3A_137 : i32
        %dma_start3A_139 = arith.constant 0 : i32
        %dma_start3A_140 = tpu.memref_slice %arg5[%dma_start3A_139, %mul3A_138] : memref<2x5120xi32, #tpu.memory_space<vmem>> -> memref<1x128xi32, #tpu.memory_space<vmem>>
        %dma_start3A_141 = tpu.memref_squeeze %dma_start3A_140 : memref<1x128xi32, #tpu.memory_space<vmem>> -> memref<128xi32, #tpu.memory_space<vmem>>
        %dma_start3A_142 = arith.constant 0 : i32
        %dma_start3A_143 = arith.constant 0 : i32
        %dma_start3A_144 = tpu.memref_slice %arg2[%dma_start3A_142, %dma_start3A_143] : memref<10000x128xf32, #tpu.memory_space<hbm>> -> memref<10000x128xf32, #tpu.memory_space<hbm>>
        tpu.enqueue_indirect_dma source(%dma_start3A_144 : memref<10000x128xf32, #tpu.memory_space<hbm>>) target(%arg7 : memref<128x128xf32, #tpu.memory_space<vmem>>) offsets(%dma_start3A_141 : memref<128xi32, #tpu.memory_space<vmem>>) semaphore(%arg10 : memref<!tpu.dma_semaphore, #tpu.memory_space<semaphore_mem>>)
      }
      %scan3A_78 = arith.constant 9 : i32
      %dma_wait3A_79 = arith.constant 0 : i32
      %dma_wait3A_80 = arith.constant 4864 : i32
      %dma_wait3A_81 = tpu.memref_slice %arg5[%dma_wait3A_79, %dma_wait3A_80] : memref<2x5120xi32, #tpu.memory_space<vmem>> -> memref<1x128xi32, #tpu.memory_space<vmem>>
      %dma_wait3A_82 = tpu.memref_squeeze %dma_wait3A_81 : memref<1x128xi32, #tpu.memory_space<vmem>> -> memref<128xi32, #tpu.memory_space<vmem>>
      %dma_wait3A_83 = arith.constant 0 : i32
      %dma_wait3A_84 = arith.constant 0 : i32
      %dma_wait3A_85 = tpu.memref_slice %arg2[%dma_wait3A_83, %dma_wait3A_84] : memref<10000x128xf32, #tpu.memory_space<hbm>> -> memref<10000x128xf32, #tpu.memory_space<hbm>>
      tpu.wait_indirect_dma semaphore(%arg9 : memref<!tpu.dma_semaphore, #tpu.memory_space<semaphore_mem>>) src(%dma_wait3A_85 : memref<10000x128xf32, #tpu.memory_space<hbm>>) dst(%arg6 : memref<128x128xf32, #tpu.memory_space<vmem>>)
      %run_scoped3A = arith.constant 1 : i32
      "tpu.region"() ({
        %run_scoped3A_94 = tpu.sem_alloc : memref<!tpu.dma_semaphore, #tpu.memory_space<semaphore_mem>>
        %dma_start3A_95 = arith.constant 4864 : i32
        %dma_start3A_96 = tpu.memref_slice %arg5[%run_scoped3A, %dma_start3A_95] : memref<2x5120xi32, #tpu.memory_space<vmem>> -> memref<1x128xi32, #tpu.memory_space<vmem>>
        %dma_start3A_97 = tpu.memref_squeeze %dma_start3A_96 : memref<1x128xi32, #tpu.memory_space<vmem>> -> memref<128xi32, #tpu.memory_space<vmem>>
        %dma_start3A_98 = arith.constant 0 : i32
        %dma_start3A_99 = arith.constant 0 : i32
        %dma_start3A_100 = tpu.memref_slice %arg8[%dma_start3A_98, %dma_start3A_99] : memref<10240x128xf32, #tpu.memory_space<vmem_shared>> -> memref<10240x128xf32, #tpu.memory_space<vmem_shared>>
        tpu.enqueue_indirect_dma source(%arg6 : memref<128x128xf32, #tpu.memory_space<vmem>>) target(%dma_start3A_100 : memref<10240x128xf32, #tpu.memory_space<vmem_shared>>) offsets(%dma_start3A_97 : memref<128xi32, #tpu.memory_space<vmem>>) semaphore(%run_scoped3A_94 : memref<!tpu.dma_semaphore, #tpu.memory_space<semaphore_mem>>) {add = true}
        %dma_wait3A_101 = arith.constant 4864 : i32
        %dma_wait3A_102 = tpu.memref_slice %arg5[%run_scoped3A, %dma_wait3A_101] : memref<2x5120xi32, #tpu.memory_space<vmem>> -> memref<1x128xi32, #tpu.memory_space<vmem>>
        %dma_wait3A_103 = tpu.memref_squeeze %dma_wait3A_102 : memref<1x128xi32, #tpu.memory_space<vmem>> -> memref<128xi32, #tpu.memory_space<vmem>>
        %dma_wait3A_104 = arith.constant 0 : i32
        %dma_wait3A_105 = arith.constant 0 : i32
        %dma_wait3A_106 = tpu.memref_slice %arg8[%dma_wait3A_104, %dma_wait3A_105] : memref<10240x128xf32, #tpu.memory_space<vmem_shared>> -> memref<10240x128xf32, #tpu.memory_space<vmem_shared>>
        tpu.wait_indirect_dma semaphore(%run_scoped3A_94 : memref<!tpu.dma_semaphore, #tpu.memory_space<semaphore_mem>>) src(%arg6 : memref<128x128xf32, #tpu.memory_space<vmem>>) dst(%dma_wait3A_106 : memref<10240x128xf32, #tpu.memory_space<vmem_shared>>)
        tpu.yield
      }) : () -> ()
      %dma_wait3A_86 = arith.constant 0 : i32
      %dma_wait3A_87 = arith.constant 4992 : i32
      %dma_wait3A_88 = tpu.memref_slice %arg5[%dma_wait3A_86, %dma_wait3A_87] : memref<2x5120xi32, #tpu.memory_space<vmem>> -> memref<1x128xi32, #tpu.memory_space<vmem>>
      %dma_wait3A_89 = tpu.memref_squeeze %dma_wait3A_88 : memref<1x128xi32, #tpu.memory_space<vmem>> -> memref<128xi32, #tpu.memory_space<vmem>>
      %dma_wait3A_90 = arith.constant 0 : i32
      %dma_wait3A_91 = arith.constant 0 : i32
      %dma_wait3A_92 = tpu.memref_slice %arg2[%dma_wait3A_90, %dma_wait3A_91] : memref<10000x128xf32, #tpu.memory_space<hbm>> -> memref<10000x128xf32, #tpu.memory_space<hbm>>
      tpu.wait_indirect_dma semaphore(%arg10 : memref<!tpu.dma_semaphore, #tpu.memory_space<semaphore_mem>>) src(%dma_wait3A_92 : memref<10000x128xf32, #tpu.memory_space<hbm>>) dst(%arg7 : memref<128x128xf32, #tpu.memory_space<vmem>>)
      %run_scoped3A_93 = arith.constant 1 : i32
      "tpu.region"() ({
        %run_scoped3A_94 = tpu.sem_alloc : memref<!tpu.dma_semaphore, #tpu.memory_space<semaphore_mem>>
        %dma_start3A_95 = arith.constant 4992 : i32
        %dma_start3A_96 = tpu.memref_slice %arg5[%run_scoped3A_93, %dma_start3A_95] : memref<2x5120xi32, #tpu.memory_space<vmem>> -> memref<1x128xi32, #tpu.memory_space<vmem>>
        %dma_start3A_97 = tpu.memref_squeeze %dma_start3A_96 : memref<1x128xi32, #tpu.memory_space<vmem>> -> memref<128xi32, #tpu.memory_space<vmem>>
        %dma_start3A_98 = arith.constant 0 : i32
        %dma_start3A_99 = arith.constant 0 : i32
        %dma_start3A_100 = tpu.memref_slice %arg8[%dma_start3A_98, %dma_start3A_99] : memref<10240x128xf32, #tpu.memory_space<vmem_shared>> -> memref<10240x128xf32, #tpu.memory_space<vmem_shared>>
        tpu.enqueue_indirect_dma source(%arg7 : memref<128x128xf32, #tpu.memory_space<vmem>>) target(%dma_start3A_100 : memref<10240x128xf32, #tpu.memory_space<vmem_shared>>) offsets(%dma_start3A_97 : memref<128xi32, #tpu.memory_space<vmem>>) semaphore(%run_scoped3A_94 : memref<!tpu.dma_semaphore, #tpu.memory_space<semaphore_mem>>) {add = true}
        %dma_wait3A_101 = arith.constant 4992 : i32
        %dma_wait3A_102 = tpu.memref_slice %arg5[%run_scoped3A_93, %dma_wait3A_101] : memref<2x5120xi32, #tpu.memory_space<vmem>> -> memref<1x128xi32, #tpu.memory_space<vmem>>
        %dma_wait3A_103 = tpu.memref_squeeze %dma_wait3A_102 : memref<1x128xi32, #tpu.memory_space<vmem>> -> memref<128xi32, #tpu.memory_space<vmem>>
        %dma_wait3A_104 = arith.constant 0 : i32
        %dma_wait3A_105 = arith.constant 0 : i32
        %dma_wait3A_106 = tpu.memref_slice %arg8[%dma_wait3A_104, %dma_wait3A_105] : memref<10240x128xf32, #tpu.memory_space<vmem_shared>> -> memref<10240x128xf32, #tpu.memory_space<vmem_shared>>
        tpu.wait_indirect_dma semaphore(%run_scoped3A_94 : memref<!tpu.dma_semaphore, #tpu.memory_space<semaphore_mem>>) src(%arg7 : memref<128x128xf32, #tpu.memory_space<vmem>>) dst(%dma_wait3A_106 : memref<10240x128xf32, #tpu.memory_space<vmem_shared>>)
        tpu.yield
      }) : () -> ()
    } else {
    }
    %barrier3A_58 = arith.constant 0 : index
    tpu.barrier barrier_id(%barrier3A_58)
    "tpu.region"() ({
      %run_scoped3A = tpu.sem_alloc : memref<!tpu.dma_semaphore, #tpu.memory_space<semaphore_mem>>
      %dma_start3A_59 = arith.constant 0 : i32
      %dma_start3A_60 = tpu.memref_slice %arg4[%arg0, %mul3A_16, %dma_start3A_59] : memref<2x10240x128xf32, #tpu.memory_space<hbm>> -> memref<1x640x128xf32, #tpu.memory_space<hbm>>
      %dma_start3A_61 = tpu.memref_squeeze %dma_start3A_60 : memref<1x640x128xf32, #tpu.memory_space<hbm>> -> memref<640x128xf32, #tpu.memory_space<hbm>>
      %dma_start3A_62 = arith.constant 0 : i32
      %dma_start3A_63 = tpu.memref_slice %arg8[%mul3A_16, %dma_start3A_62] : memref<10240x128xf32, #tpu.memory_space<vmem_shared>> -> memref<640x128xf32, #tpu.memory_space<vmem_shared>>
      tpu.enqueue_dma source(%dma_start3A_63 : memref<640x128xf32, #tpu.memory_space<vmem_shared>>) target(%dma_start3A_61 : memref<640x128xf32, #tpu.memory_space<hbm>>) target_semaphore(%run_scoped3A : memref<!tpu.dma_semaphore, #tpu.memory_space<semaphore_mem>>)
      %dma_wait3A_64 = arith.constant 0 : i32
      %dma_wait3A_65 = tpu.memref_slice %arg4[%arg0, %mul3A_16, %dma_wait3A_64] : memref<2x10240x128xf32, #tpu.memory_space<hbm>> -> memref<1x640x128xf32, #tpu.memory_space<hbm>>
      %dma_wait3A_66 = tpu.memref_squeeze %dma_wait3A_65 : memref<1x640x128xf32, #tpu.memory_space<hbm>> -> memref<640x128xf32, #tpu.memory_space<hbm>>
      %dma_wait3A_67 = arith.constant 0 : i32
      %dma_wait3A_68 = tpu.memref_slice %arg8[%mul3A_16, %dma_wait3A_67] : memref<10240x128xf32, #tpu.memory_space<vmem_shared>> -> memref<640x128xf32, #tpu.memory_space<vmem_shared>>
      tpu.wait_dma2 semaphore(%run_scoped3A : memref<!tpu.dma_semaphore, #tpu.memory_space<semaphore_mem>>) src(%dma_wait3A_68 : memref<640x128xf32, #tpu.memory_space<vmem_shared>>) dst(%dma_wait3A_66 : memref<640x128xf32, #tpu.memory_space<hbm>>)
      tpu.yield
    }) : () -> ()
    return
  }
}

module attributes {stable_mosaic.version = 14 : i64} {
  func.func @body(%arg0: i32, %arg1: memref<2x2000x128xf32, #tpu.memory_space<vmem>>, %arg2: memref<128x128xf32, #tpu.memory_space<vmem>>, %arg3: memref<2000x128xf32, #tpu.memory_space<vmem>>) attributes {dimension_semantics = [#tpu.dimension_semantics<arbitrary>], iteration_bounds = array<i64: 5>, scalar_prefetch = 0 : i64, scratch_operands = 0 : i64, tpu.core_type = #tpu.core_type<tc>, window_params = [{transform_indices = @transform_0, window_bounds = array<i64: 2, 2000, 128>}, {pipeline_mode = #tpu.pipeline_mode<synchronous>, transform_indices = @transform_1, window_bounds = array<i64: 128, 128>}, {transform_indices = @transform_2, window_bounds = array<i64: 2000, 128>}]} {
    %get3A = arith.constant 0 : index
    %get3A_0 = arith.constant 0 : index
    %get3A_1 = arith.constant 0 : index
    %get3A_2 = vector.load %arg1[%get3A, %get3A_0, %get3A_1] : memref<2x2000x128xf32, #tpu.memory_space<vmem>>, vector<1x2000x128xf32>
    %get3A_3 = vector.shape_cast %get3A_2 : vector<1x2000x128xf32> to vector<2000x128xf32>
    %get3A_4 = arith.constant 1 : index
    %get3A_5 = arith.constant 0 : index
    %get3A_6 = arith.constant 0 : index
    %get3A_7 = vector.load %arg1[%get3A_4, %get3A_5, %get3A_6] : memref<2x2000x128xf32, #tpu.memory_space<vmem>>, vector<1x2000x128xf32>
    %get3A_8 = vector.shape_cast %get3A_7 : vector<1x2000x128xf32> to vector<2000x128xf32>
    %add3A = arith.addf %get3A_3, %get3A_8 : vector<2000x128xf32>
    %get3A_9 = arith.constant 0 : index
    %get3A_10 = arith.constant 0 : index
    %get3A_11 = vector.load %arg2[%get3A_9, %get3A_10] : memref<128x128xf32, #tpu.memory_space<vmem>>, vector<128x128xf32>
    %dot_general3A = arith.constant dense<0.000000e+00> : vector<2000x128xf32>
    %dot_general3A_12 = tpu.matmul %add3A, %get3A_11, %dot_general3A {dimension_numbers = #tpu.dot_dimension_numbers<[1], [0], [0], [1], [0, 0, 1, 1], [], []>, transpose_lhs_hint = false} : vector<2000x128xf32>, vector<128x128xf32>, vector<2000x128xf32> -> vector<2000x128xf32>
    %swap3A = arith.constant 0 : index
    %swap3A_13 = arith.constant 0 : index
    %swap3A_14 = vector.load %arg3[%swap3A, %swap3A_13] : memref<2000x128xf32, #tpu.memory_space<vmem>>, vector<2000x128xf32>
    tpu.vector_store %arg3[%swap3A, %swap3A_13], %dot_general3A_12 {strides = array<i32>} : memref<2000x128xf32, #tpu.memory_space<vmem>>, vector<2000x128xf32>,
    return
  }
  func.func @transform_0(%arg0: i32) -> (i32, i32, i32) {
    %c0_i32 = arith.constant 0 : i32
    %c0_i32_0 = arith.constant 0 : i32
    %c0_i32_1 = arith.constant 0 : i32
    return %c0_i32, %arg0, %c0_i32_0 : i32, i32, i32
  }
  func.func @transform_1(%arg0: i32) -> (i32, i32) {
    %c0_i32 = arith.constant 0 : i32
    %c0_i32_0 = arith.constant 0 : i32
    %c0_i32_1 = arith.constant 0 : i32
    return %c0_i32, %c0_i32_0 : i32, i32
  }
  func.func @transform_2(%arg0: i32) -> (i32, i32) {
    %c0_i32 = arith.constant 0 : i32
    %c0_i32_0 = arith.constant 0 : i32
    return %arg0, %c0_i32 : i32, i32
  }
}

</mosaic_0001>

<sc_bundles>
// kernel: kernel.4.cloned.1.call-start
scs
__scs_entry_jumppad:
0x0: {  	(pc) =	sbr.rel $0x88, $3  }
0x1: {  	(tag) =	ssettag $0x0;
	lr =	simm.s32 $0x1  }
0x2: {  	[smem:$0x3F9E] =	sst lr;
	_ =	strace $0xD0000000  }
0x3: {  	_ = 	snop  }
0x4: {  	_ = 	snop  }
0x5: {  	_ = 	snop  }
0x6: {  	_ = 	snop  }
0x7: {  	_ = 	snop  }
__scs_overlays_trampoline_lowered:
0x8: {  	[smem:$0x3FAD] =	sst s0  }
0x9: {  	[smem:$0x3FAE] =	sst s1  }
0xa: {  	[smem:$0x3FAF] =	sst s2  }
0xb: {  	[smem:$0x3FB0] =	sst s3  }
0xc: {  	[smem:$0x3FB1] =	sst s4  }
0xd: {  	[smem:$0x3FB2] =	sst s5  }
0xe: {  	[smem:$0x3FB3] =	sst s6  }
0xf: {  	[smem:$0x3FB4] =	sst s7  }
0x10: {  	[smem:$0x3FB5] =	sst s8  }
0x11: {  	[smem:$0x3FB6] =	sst s9;
	s0 =	simm.s32 @!p0 $0x0  }
0x12: {  	s1 =	sld [smem:$0x3F9C];
	s0 =	simm.s32 @p0 $0x1  }
0x13: {  	[smem:$0x3FB7] =	sst s0;
	s0 =	simm.s32 @!p1 $0x0  }
0x14: {  	s2 =	sld [smem:$0x3F9B];
	s0 =	simm.s32 @p1 $0x1  }
0x15: {  	[smem:$0x3FB8] =	sst s0;
	s0 =	simm.s32 @!p2 $0x0  }
0x16: {  	s3 =	sld [smem:$0x3FDB];
	s0 =	simm.s32 @p2 $0x1  }
0x17: {  	s4 =	simm.s32 $0x1BF5;
	[smem:$0x3FBA] =	sst s0  }
0x18: {  	s0 =	sld [smem:$0x3F9D];
	_ =	swait.ge [sflag:s4], $0x0  }
0x19: {  	s7 =	sld [smem:$0x3F9E]  }
0x1a: {  	s8 =	sadd.s32 $0xFFFFE003, lr  }
0x1b: {  	s9 =	sadd.s32 $0xFFFFFEF7, lr;
	s5 =	simm.s32 $0xFFFFFFFF;
	p2 =	slt.u32 s8, $0xFFFFF086  }
0x1c: {  	p1 =	slt.u32 s9, $0xF7A;
	s5 =	simm.s32 @!p2 $0x0  }
0x1d: {  	s5 =	simm.s32 @p1 $0x1;
	p0 =	seq.s32 s7, s2  }
0x1e: {  	s7 =	smul.u32 @!p0 $0xF7A, s2;
	p2 =	seq.s32 @!p0 s5, $0x0  }
0x1f: {  	s9 =	smul.u32 $0xF7A, s1;
	s8 =	simm.s32 @!p0 $0x1BF5;
	p2 =	por !p2, p0  }
0x20: {  	[sflag:s8] =	ssyncset.s32 @!p0 $0xFFFFF086;
	s6 =	sadd.s32 @!p0 s3, s7;
	s7 =	simm.s32 @!p0 $0x108  }
0x21: {  	s3 =	sadd.s32 s3, s9;
	s6 =	sadd.s32 @!p0 $0x88, s6;
	s7 =	simm.s32 @p2 $0x1082  }
0x22: {  	[simem:s7], [sflag:s8] =	dma.local @!p0 [hbm:s6], $0xF7A  }
0x23: {  	s9 =	sor.u32 $0xD0000000, s2;
	s6 =	simm.s32 $0x108;
	_ =	swait.ge @!p0 [sflag:s8], $0x0  }
0x24: {  	s3 =	sadd.s32 $0x88, s3;
	s6 =	simm.s32 @!p1 $0x1082;
	[sflag:s4] =	ssyncset.s32 $0xFFFFF086  }
0x25: {  	[simem:s6], [sflag:s4] =	dma.local [hbm:s3], $0xF7A  }
0x26: {  	[smem:$0x3F9E] =	sst s1;
	(tag) =	ssettag s2;
	_ =	strace s9  }
0x27: {  	s1 =	sld [smem:$0x3FAE]  }
0x28: {  	s2 =	sld [smem:$0x3FAF]  }
0x29: {  	s4 =	sld [smem:$0x3FB1]  }
0x2a: {  	p0 =	seq.s32 s5, $0x0;
	s5 =	sld [smem:$0x3FB2]  }
0x2b: {  	s6 =	sld [smem:$0x3FB3]  }
0x2c: {  	s7 =	sld [smem:$0x3FB4]  }
0x2d: {  	s3 =	simm.s32 $0x108;
	s8 =	sld [smem:$0x3FB5]  }
0x2e: {  	s3 =	simm.s32 @!p0 $0x1082;
	s9 =	sld [smem:$0x3FB6]  }
0x2f: {  	lr =	sadd.s32 s0, s3;
	s0 =	sld [smem:$0x3FAD]  }
0x30: {  	s3 =	sld [smem:$0x3FB0]  }
0x31: {  	[smem:$0x3FB9] =	sst s10  }
0x32: {  	s10 =	sld [smem:$0x3FB7];
	_ =	sdelay $0x3  }
0x33: {  	p0 =	seq.s32 s10, $0x1;
	s10 =	sld [smem:$0x3FB9];
	_ =	sdelay $0x3  }
0x34: {  	[smem:$0x3FB9] =	sst s10  }
0x35: {  	s10 =	sld [smem:$0x3FB8];
	_ =	sdelay $0x3  }
0x36: {  	p1 =	seq.s32 s10, $0x1;
	s10 =	sld [smem:$0x3FB9];
	_ =	sdelay $0x3  }
0x37: {  	[smem:$0x3FB9] =	sst s10  }
0x38: {  	s10 =	sld [smem:$0x3FBA]  }
0x39: {  	_ = 	snop;
	(pc) =	sbr.ind lr, $3  }
0x3a: {  	_ = 	snop  }
0x3b: {  	_ = 	snop  }
0x3c: {  	p2 =	seq.s32 s10, $0x1;
	s10 =	sld [smem:$0x3FB9]  }
0x3d: {  	_ =	shalt  }
0x3e: {  	_ =	shalt  }
0x3f: {  	_ =	shalt  }
0x40: {  	_ =	shalt  }
0x41: {  	_ =	shalt  }
0x42: {  	_ =	shalt  }
0x43: {  	_ =	shalt  }
0x44: {  	_ =	shalt  }
0x45: {  	_ =	shalt  }
0x46: {  	_ =	shalt  }
0x47: {  	_ =	shalt  }
0x48: {  	_ =	shalt  }
0x49: {  	_ =	shalt  }
0x4a: {  	_ =	shalt  }
0x4b: {  	_ =	shalt  }
0x4c: {  	_ =	shalt  }
0x4d: {  	_ =	shalt  }
0x4e: {  	_ =	shalt  }
0x4f: {  	_ =	shalt  }
0x50: {  	_ =	shalt  }
0x51: {  	_ =	shalt  }
0x52: {  	_ =	shalt  }
0x53: {  	_ =	shalt  }
0x54: {  	_ =	shalt  }
0x55: {  	_ =	shalt  }
0x56: {  	_ =	shalt  }
0x57: {  	_ =	shalt  }
0x58: {  	_ =	shalt  }
0x59: {  	_ =	shalt  }
0x5a: {  	_ =	shalt  }
0x5b: {  	_ =	shalt  }
0x5c: {  	_ =	shalt  }
0x5d: {  	_ =	shalt  }
0x5e: {  	_ =	shalt  }
0x5f: {  	_ =	shalt  }
0x60: {  	_ =	shalt  }
0x61: {  	_ =	shalt  }
0x62: {  	_ =	shalt  }
0x63: {  	_ =	shalt  }
0x64: {  	_ =	shalt  }
0x65: {  	_ =	shalt  }
0x66: {  	_ =	shalt  }
0x67: {  	_ =	shalt  }
0x68: {  	_ =	shalt  }
0x69: {  	_ =	shalt  }
0x6a: {  	_ =	shalt  }
0x6b: {  	_ =	shalt  }
0x6c: {  	_ =	shalt  }
0x6d: {  	_ =	shalt  }
0x6e: {  	_ =	shalt  }
0x6f: {  	_ =	shalt  }
0x70: {  	_ =	shalt  }
0x71: {  	_ =	shalt  }
0x72: {  	_ =	shalt  }
0x73: {  	_ =	shalt  }
0x74: {  	_ =	shalt  }
0x75: {  	_ =	shalt  }
0x76: {  	_ =	shalt  }
0x77: {  	_ =	shalt  }
0x78: {  	_ =	shalt  }
0x79: {  	_ =	shalt  }
0x7a: {  	_ =	shalt  }
0x7b: {  	_ =	shalt  }
0x7c: {  	_ =	shalt  }
0x7d: {  	_ =	shalt  }
0x7e: {  	_ =	shalt  }
0x7f: {  	_ =	shalt  }
0x80: {  	_ =	shalt  }
0x81: {  	_ =	shalt  }
0x82: {  	_ =	shalt  }
0x83: {  	_ =	shalt  }
0x84: {  	_ =	shalt  }
0x85: {  	_ =	shalt  }
0x86: {  	_ =	shalt  }
0x87: {  	_ =	shalt  }
.Lfunc_end0:
.L_simem_size_0:
called_computation_lowered:
.L_overlay_start_0:
0x88: {  	s2 =	sld [smem:$0x3FD9]  }
0x89: {  	s3 =	sld [smem:$0x3FFE];
	_ =	sdelay $0x1  }
0x8a: {  	s1 =	srdreg.scid  }
0x8b: {  	s0 =	sand.u32 $0x1, s1  }
0x8c: {  	s17 =	sshll.u32 s0, $0xA;
	s2 =	sadd.s32 s3, s2  }
0x8d: {  	s2 =	sadd.s32 s2, s17  }
0x8e: {  	[smem:$0x3FC5] =	sst s2  }
0x8f: {  	_ = 	snop  }
0x90: {  	s2 =	sld [smem:$0x3FC9]  }
0x91: {  	s18 =	sld [smem:$0x3FC8];
	(tm) =	ssettm $0x1  }
0x92: {  	s4 =	sld [smem:$0x3FFB];
	_ =	sdelay $0x3  }
0x93: {  	_ =	strace s4  }
0x94: {  	s4 =	sld [smem:$0x3FFC];
	_ =	sdelay $0x3  }
0x95: {  	_ =	strace s4  }
0x96: {  	s4 =	sld [smem:$0x3FFD];
	_ =	sdelay $0x3  }
0x97: {  	_ =	strace s4  }
0x98: {  	_ =	strace $0x8FFFFFFF  }
0x99: {  	s19 =	sld [smem:$0x3FDB];
	_ =	sdelay $0x1  }
0x9a: {  	s5 =	simm.s32 $_scs_section_size  }
0x9b: {  	s6 =	simm.s32 $_size__tile_overlayer_lowered;
	s7 =	simm.s32 $_tile_overlayer_lowered  }
0x9c: {  	s22 =	simm.s32 $0x1BFF;
	s21 =	sshll.u32 s7, $0x1;
	s4 =	sadd.s32 s5, s19  }
0x9d: {  	s8 =	simm.s32 $0x0;
	s20 =	sshll.u32 s6, $0x1;
	s6 =	sadd.s32 s21, s4  }
0x9e: {  	[timem:s8], [sflag:s22] =	dma.local [hbm:s6], s20  }
0x9f: {  	_ =	swait.ge [sflag:s22], s20  }
0xa0: {  	s5 =	ssub.s32 $0x0, s20;
	[sflag:s22] =	ssyncset.done $0x0  }
0xa1: {  	[sflag:s22] =	ssyncadd.s32 s5;
	_ =	sdelay $0x1  }
0xa2: {  	s23 =	simm.s32 $0x1B8B  }
0xa3: {  	_ =	swait.ge [sflag:s23], $0x1  }
0xa4: {  	[sflag:s23] =	ssyncset.done $0x0  }
0xa5: {  	s25 =	simm.s32 $0x1B8E;
	s24 =	sld [smem:$0x3FFE];
	[sflag:s23] =	ssyncadd.s32 $0xFFFFFFFF  }
0xa6: {  	s26 =	simm.s32 $execute0_lowered;
	[smem:$0x3FD2] =	sst s25  }
0xa7: {  	s6 =	sshll.u32 s26, $0x1;
	_ =	strace $0x80000046;
	[dreg:$0x1] =	wrdreg $0xFFFFFFFF  }
0xa8: {  	s28 =	simm.s32 $_size_execute0_lowered;
	s4 =	sadd.s32 s4, s6;
	[dreg:$0x0] =	wrdreg $0x0  }
0xa9: {  	s6 =	sshll.u32 s28, $0x1;
	[dreg:$0x2] =	wrdreg s4  }
0xaa: {  	[dreg:$0x3] =	wrdreg s6  }
0xab: {  	[dreg:$0x4] =	wrdreg $0xC0  }
0xac: {  	_ =	task [dreg:s8], $0x5FFFF  }
0xad: {  	[dreg:$0x1] =	wrdreg $0xFFFFFFFF  }
0xae: {  	[dreg:$0x0] =	wrdreg $0x60  }
0xaf: {  	[dreg:$0x2] =	wrdreg s2  }
0xb0: {  	[dreg:$0x3] =	wrdreg s18  }
0xb1: {  	[dreg:$0x4] =	wrdreg s24  }
0xb2: {  	[dreg:$0x5] =	wrdreg $0xA8000  }
0xb3: {  	[dreg:$0x6] =	wrdreg $0x9  }
0xb4: {  	_ =	task.clear_ibuf [dreg:s8], $0x7FFFF;
	_ =	strace $0x90000046  }
0xb5: {  	s29 =	simm.s32 $0x9;
	_ =	strace $0x80000048  }
0xb6: {  	_ =	swait.ge [sflag:s29], $0x1  }
0xb7: {  	[sflag:s29] =	ssyncadd.s32 $0xFFFFFFFF  }
0xb8: {  	_ =	strace $0x90000048  }
0xb9: {  	_ =	sfence  }
0xba: {  	s30 =	sld [smem:$0x0];
	_ =	sdelay $0x2  }
0xbb: {  	s31 =	sshll.u32 s1, $0xD;
	s1 =	sshrl.u32 s1, $0x2  }
0xbc: {  	s3 =	sand.u32 $0x4000, s31;
	s1 =	sadd.s32 s1, s30  }
0xbd: {  	s0 =	sor.u32 s3, s0;
	s1 =	sshll.u32 s1, $0x11  }
0xbe: {  	s0 =	sor.u32 s1, s0  }
0xbf: {  	s0 =	sadd.s32 $0x8F2B, s0  }
0xc0: {  	[sflag:s0] =	ssyncadd.remote.s32 $0x1  }
0xc1: {  	_ =	sfence.sel $0xFFFF  }
0xc2: {  	[dreg:$0x0] =	wrdreg $0xFFFFFFFF;
	(pc) =	sbr.abs _section_cstart, $3  }
0xc3: {  	[dreg:$0x1] =	wrdreg $0xFFFFFFFF  }
0xc4: {  	_ =	task.clear_ibuf [dreg:s8], $0x2FFFF;
	_ =	strace $0x9FFFFFFF  }
0xc5: {  	(tm) =	ssettm $0x7FFFFFFF  }
tec
execute0_lowered:
.L_overlay_start_1:
0x0: {  	(tag) =	ssettag $0x1  }
0x1: {  	s0 =	rddreg [dreg:$0x0]  }
0x2: {  	s1 =	rddreg [dreg:$0x1]  }
0x3: {  	s2 =	srdreg.scid;
	s5 =	rddreg [dreg:$0x2]  }
0x4: {  	s8 =	stileid.u32;
	s3 =	rddreg [dreg:$0x3]  }
0x5: {  	s18 =	simm.s32 $0x0;
	s28 =	simm.s32 $0x3;
	s29 =	simm.s32 $0x80  }
0x6: {  	s30 =	simm.s32 $0x1;
	s31 =	simm.s32 $0x2;
	s7 =	smul.u32 $0x14000, s8  }
0x7: {  	s2 =	sand.u32 $0x1, s2;
	s4 =	sshll.u32 s8, $0x1;
	s8 =	smul.u32 $0x50000, s8  }
0x8: {  	[smem:$0x7FF] =	sst s18;
	s6 =	smul.u32 $0x140000, s2;
	s22 =	sor.u32 s2, s4  }
0x9: {  	_ =	strace $0x80000047;
	s2 =	ssub.s32 $0x2, s2;
	s19 =	smul.u32 $0x2800, s22  }
0xa: {  	s20 =	sshrl.u32 s2, $0x1;
	s24 =	sshrl.u32 s8, $0x2;
	p0 =	seq.s32 s22, $0x1F  }
0xb: {  	s22 =	simm.s32 $0x0;
	s6 =	sadd.s32 s7, s6;
	s2 =	ssub.s32 s2, s20  }
0xc: {  	s6 =	sshrl.u32 s6, $0x3;
	s21 =	smin.u32 s19, $0x4CE00;
	s4 =	smax.u32 s2, $0x1  }
0xd: {  	s23 =	sadd.s32 s6, s5;
	s6 =	sshrl.u32 s21, $0x2;
	s5 =	sadd.s32 s24, s3  }
0xe: {  	s2 =	simm.s32 $0x6800;
	s6 =	sadd.s32 s1, s6;
	s8 =	sadd.s32 $0x1400, s5  }
0xf: {  	s9 =	sadd.s32 $0x2800, s5;
	s10 =	sadd.s32 $0x3C00, s5;
	s11 =	sadd.s32 $0x5000, s5  }
0x10: {  	s12 =	sadd.s32 $0x6400, s5;
	s13 =	sadd.s32 $0x7800, s5;
	s14 =	sadd.s32 $0x8C00, s5  }
.Ltmp0:
0x11: {  	s15 =	sadd.s32 $0xA000, s5;
	s16 =	sadd.s32 $0xB400, s5;
	(pc) =	sbr.rel .LBB2_1-.Ltmp0, $4  }
0x12: {  	s17 =	sadd.s32 $0xC800, s5;
	s18 =	sadd.s32 $0xDC00, s5;
	s19 =	sadd.s32 $0xF000, s5  }
0x13: {  	s20 =	sadd.s32 $0x10400, s5;
	s21 =	sadd.s32 $0x11800, s5;
	s25 =	sadd.s32 $0x12C00, s5  }
0x14: {  	s23 =	sadd.s32 $0x800, s23;
	[dreg:$0x5] =	wrdreg s25;
	s26 =	sadd.s32 $0x500, s6  }
0x15: {  	v0 =	vimm.f32 $0.0e+00;
	s25 =	simm.s32 $0x2800;
	[dreg:$0x6] =	wrdreg s26;
	s26 =	simm.s32 $0x4  }
.LBB2_9:
0x16: {  	s1 =	simm.s32 $0x1400  }
0x17: {  	[tilespmem:s25], [sflag:$0x1] =	stream.indirect.gather [hbm4b:s0+s29], $0x80, s1, s29, $0xb8;
	[tilespmem:$0x1E800] =	vst v63  }
0x18: {  	s24 =	simm.s32 $0x1500  }
0x19: {  	[tilespmem:s2], [sflag:$0x2] =	stream.indirect.gather [hbm4b:s0+s29], $0x80, s24, s29, $0xb8;
	[tilespmem:$0x1E800] =	vst v63  }
0x1a: {  	_ =	swait.ge [sflag:s30], $0x4000  }
0x1b: {  	[sflag:s30] =	ssyncset.done $0x0  }
0x1c: {  	s7 =	simm.s32 $0x1480;
	[sflag:s30] =	ssyncadd.s32 $0xFFFFC000  }
0x1d: {  	[spmem:s3] =	stream.indirect.scatter.add.f32 [tilespmem:s25], [sflag:$0x4], $0x80, s7, s29, $0xb8;
	[tilespmem:$0x1E800] =	vst v63  }
0x1e: {  	_ =	swait.ge [sflag:s26], $0x4000  }
0x1f: {  	[sflag:s26] =	ssyncset.done $0x0  }
0x20: {  	s24 =	simm.s32 $0x1600;
	[sflag:s26] =	ssyncadd.s32 $0xFFFFC000  }
0x21: {  	[tilespmem:s25], [sflag:$0x1] =	stream.indirect.gather [hbm4b:s0+s29], $0x80, s24, s29, $0xb8;
	[tilespmem:$0x1E800] =	vst v63  }
0x22: {  	_ =	swait.ge [sflag:s31], $0x4000  }
0x23: {  	[sflag:s31] =	ssyncset.done $0x0  }
0x24: {  	s7 =	simm.s32 $0x1580;
	[sflag:s31] =	ssyncadd.s32 $0xFFFFC000  }
0x25: {  	[spmem:s3] =	stream.indirect.scatter.add.f32 [tilespmem:s2], [sflag:$0x4], $0x80, s7, s29, $0xb8;
	[tilespmem:$0x1E800] =	vst v63  }
0x26: {  	_ =	swait.ge [sflag:s26], $0x4000  }
0x27: {  	[sflag:s26] =	ssyncset.done $0x0  }
0x28: {  	s24 =	simm.s32 $0x1700;
	[sflag:s26] =	ssyncadd.s32 $0xFFFFC000  }
0x29: {  	[tilespmem:s2], [sflag:$0x2] =	stream.indirect.gather [hbm4b:s0+s29], $0x80, s24, s29, $0xb8;
	[tilespmem:$0x1E800] =	vst v63  }
0x2a: {  	_ =	swait.ge [sflag:s30], $0x4000  }
0x2b: {  	[sflag:s30] =	ssyncset.done $0x0  }
0x2c: {  	s7 =	simm.s32 $0x1680;
	[sflag:s30] =	ssyncadd.s32 $0xFFFFC000  }
0x2d: {  	[spmem:s3] =	stream.indirect.scatter.add.f32 [tilespmem:s25], [sflag:$0x4], $0x80, s7, s29, $0xb8;
	[tilespmem:$0x1E800] =	vst v63  }
0x2e: {  	_ =	swait.ge [sflag:s26], $0x4000  }
0x2f: {  	[sflag:s26] =	ssyncset.done $0x0  }
0x30: {  	s24 =	simm.s32 $0x1800;
	[sflag:s26] =	ssyncadd.s32 $0xFFFFC000  }
0x31: {  	[tilespmem:s25], [sflag:$0x1] =	stream.indirect.gather [hbm4b:s0+s29], $0x80, s24, s29, $0xb8;
	[tilespmem:$0x1E800] =	vst v63  }
0x32: {  	_ =	swait.ge [sflag:s31], $0x4000  }
0x33: {  	[sflag:s31] =	ssyncset.done $0x0  }
0x34: {  	s7 =	simm.s32 $0x1780;
	[sflag:s31] =	ssyncadd.s32 $0xFFFFC000  }
0x35: {  	[spmem:s3] =	stream.indirect.scatter.add.f32 [tilespmem:s2], [sflag:$0x4], $0x80, s7, s29, $0xb8;
	[tilespmem:$0x1E800] =	vst v63  }
0x36: {  	_ =	swait.ge [sflag:s26], $0x4000  }
0x37: {  	[sflag:s26] =	ssyncset.done $0x0  }
0x38: {  	s24 =	simm.s32 $0x1900;
	[sflag:s26] =	ssyncadd.s32 $0xFFFFC000  }
0x39: {  	[tilespmem:s2], [sflag:$0x2] =	stream.indirect.gather [hbm4b:s0+s29], $0x80, s24, s29, $0xb8;
	[tilespmem:$0x1E800] =	vst v63  }
0x3a: {  	_ =	swait.ge [sflag:s30], $0x4000  }
0x3b: {  	[sflag:s30] =	ssyncset.done $0x0  }
0x3c: {  	s7 =	simm.s32 $0x1880;
	[sflag:s30] =	ssyncadd.s32 $0xFFFFC000  }
0x3d: {  	[spmem:s3] =	stream.indirect.scatter.add.f32 [tilespmem:s25], [sflag:$0x4], $0x80, s7, s29, $0xb8;
	[tilespmem:$0x1E800] =	vst v63  }
0x3e: {  	_ =	swait.ge [sflag:s26], $0x4000  }
0x3f: {  	[sflag:s26] =	ssyncset.done $0x0  }
0x40: {  	s24 =	simm.s32 $0x1A00;
	[sflag:s26] =	ssyncadd.s32 $0xFFFFC000  }
0x41: {  	[tilespmem:s25], [sflag:$0x1] =	stream.indirect.gather [hbm4b:s0+s29], $0x80, s24, s29, $0xb8;
	[tilespmem:$0x1E800] =	vst v63  }
0x42: {  	_ =	swait.ge [sflag:s31], $0x4000  }
0x43: {  	[sflag:s31] =	ssyncset.done $0x0  }
0x44: {  	s7 =	simm.s32 $0x1980;
	[sflag:s31] =	ssyncadd.s32 $0xFFFFC000  }
0x45: {  	[spmem:s3] =	stream.indirect.scatter.add.f32 [tilespmem:s2], [sflag:$0x4], $0x80, s7, s29, $0xb8;
	[tilespmem:$0x1E800] =	vst v63  }
0x46: {  	_ =	swait.ge [sflag:s26], $0x4000  }
0x47: {  	[sflag:s26] =	ssyncset.done $0x0  }
0x48: {  	s24 =	simm.s32 $0x1B00;
	[sflag:s26] =	ssyncadd.s32 $0xFFFFC000  }
0x49: {  	[tilespmem:s2], [sflag:$0x2] =	stream.indirect.gather [hbm4b:s0+s29], $0x80, s24, s29, $0xb8;
	[tilespmem:$0x1E800] =	vst v63  }
0x4a: {  	_ =	swait.ge [sflag:s30], $0x4000  }
0x4b: {  	[sflag:s30] =	ssyncset.done $0x0  }
0x4c: {  	s7 =	simm.s32 $0x1A80;
	[sflag:s30] =	ssyncadd.s32 $0xFFFFC000  }
0x4d: {  	[spmem:s3] =	stream.indirect.scatter.add.f32 [tilespmem:s25], [sflag:$0x4], $0x80, s7, s29, $0xb8;
	[tilespmem:$0x1E800] =	vst v63  }
0x4e: {  	_ =	swait.ge [sflag:s26], $0x4000  }
0x4f: {  	[sflag:s26] =	ssyncset.done $0x0  }
0x50: {  	s24 =	simm.s32 $0x1C00;
	[sflag:s26] =	ssyncadd.s32 $0xFFFFC000  }
0x51: {  	[tilespmem:s25], [sflag:$0x1] =	stream.indirect.gather [hbm4b:s0+s29], $0x80, s24, s29, $0xb8;
	[tilespmem:$0x1E800] =	vst v63  }
0x52: {  	_ =	swait.ge [sflag:s31], $0x4000  }
0x53: {  	[sflag:s31] =	ssyncset.done $0x0  }
0x54: {  	s7 =	simm.s32 $0x1B80;
	[sflag:s31] =	ssyncadd.s32 $0xFFFFC000  }
0x55: {  	[spmem:s3] =	stream.indirect.scatter.add.f32 [tilespmem:s2], [sflag:$0x4], $0x80, s7, s29, $0xb8;
	[tilespmem:$0x1E800] =	vst v63  }
0x56: {  	_ =	swait.ge [sflag:s26], $0x4000  }
0x57: {  	[sflag:s26] =	ssyncset.done $0x0  }
0x58: {  	s24 =	simm.s32 $0x1D00;
	[sflag:s26] =	ssyncadd.s32 $0xFFFFC000  }
0x59: {  	[tilespmem:s2], [sflag:$0x2] =	stream.indirect.gather [hbm4b:s0+s29], $0x80, s24, s29, $0xb8;
	[tilespmem:$0x1E800] =	vst v63  }
0x5a: {  	_ =	swait.ge [sflag:s30], $0x4000  }
0x5b: {  	[sflag:s30] =	ssyncset.done $0x0  }
0x5c: {  	s7 =	simm.s32 $0x1C80;
	[sflag:s30] =	ssyncadd.s32 $0xFFFFC000  }
0x5d: {  	[spmem:s3] =	stream.indirect.scatter.add.f32 [tilespmem:s25], [sflag:$0x4], $0x80, s7, s29, $0xb8;
	[tilespmem:$0x1E800] =	vst v63  }
0x5e: {  	_ =	swait.ge [sflag:s26], $0x4000  }
0x5f: {  	[sflag:s26] =	ssyncset.done $0x0  }
0x60: {  	s24 =	simm.s32 $0x1E00;
	[sflag:s26] =	ssyncadd.s32 $0xFFFFC000  }
0x61: {  	[tilespmem:s25], [sflag:$0x1] =	stream.indirect.gather [hbm4b:s0+s29], $0x80, s24, s29, $0xb8;
	[tilespmem:$0x1E800] =	vst v63  }
0x62: {  	_ =	swait.ge [sflag:s31], $0x4000  }
0x63: {  	[sflag:s31] =	ssyncset.done $0x0  }
0x64: {  	s7 =	simm.s32 $0x1D80;
	[sflag:s31] =	ssyncadd.s32 $0xFFFFC000  }
0x65: {  	[spmem:s3] =	stream.indirect.scatter.add.f32 [tilespmem:s2], [sflag:$0x4], $0x80, s7, s29, $0xb8;
	[tilespmem:$0x1E800] =	vst v63  }
0x66: {  	_ =	swait.ge [sflag:s26], $0x4000  }
0x67: {  	[sflag:s26] =	ssyncset.done $0x0  }
0x68: {  	s24 =	simm.s32 $0x1F00;
	[sflag:s26] =	ssyncadd.s32 $0xFFFFC000  }
0x69: {  	[tilespmem:s2], [sflag:$0x2] =	stream.indirect.gather [hbm4b:s0+s29], $0x80, s24, s29, $0xb8;
	[tilespmem:$0x1E800] =	vst v63  }
0x6a: {  	_ =	swait.ge [sflag:s30], $0x4000  }
0x6b: {  	[sflag:s30] =	ssyncset.done $0x0  }
0x6c: {  	s7 =	simm.s32 $0x1E80;
	[sflag:s30] =	ssyncadd.s32 $0xFFFFC000  }
0x6d: {  	[spmem:s3] =	stream.indirect.scatter.add.f32 [tilespmem:s25], [sflag:$0x4], $0x80, s7, s29, $0xb8;
	[tilespmem:$0x1E800] =	vst v63  }
0x6e: {  	_ =	swait.ge [sflag:s26], $0x4000  }
0x6f: {  	[sflag:s26] =	ssyncset.done $0x0  }
0x70: {  	s24 =	simm.s32 $0x2000;
	[sflag:s26] =	ssyncadd.s32 $0xFFFFC000  }
0x71: {  	[tilespmem:s25], [sflag:$0x1] =	stream.indirect.gather [hbm4b:s0+s29], $0x80, s24, s29, $0xb8;
	[tilespmem:$0x1E800] =	vst v63  }
0x72: {  	_ =	swait.ge [sflag:s31], $0x4000  }
0x73: {  	[sflag:s31] =	ssyncset.done $0x0  }
0x74: {  	s7 =	simm.s32 $0x1F80;
	[sflag:s31] =	ssyncadd.s32 $0xFFFFC000  }
0x75: {  	[spmem:s3] =	stream.indirect.scatter.add.f32 [tilespmem:s2], [sflag:$0x4], $0x80, s7, s29, $0xb8;
	[tilespmem:$0x1E800] =	vst v63  }
0x76: {  	_ =	swait.ge [sflag:s26], $0x4000  }
0x77: {  	[sflag:s26] =	ssyncset.done $0x0  }
0x78: {  	s24 =	simm.s32 $0x2100;
	[sflag:s26] =	ssyncadd.s32 $0xFFFFC000  }
0x79: {  	[tilespmem:s2], [sflag:$0x2] =	stream.indirect.gather [hbm4b:s0+s29], $0x80, s24, s29, $0xb8;
	[tilespmem:$0x1E800] =	vst v63  }
0x7a: {  	_ =	swait.ge [sflag:s30], $0x4000  }
0x7b: {  	[sflag:s30] =	ssyncset.done $0x0  }
0x7c: {  	s7 =	simm.s32 $0x2080;
	[sflag:s30] =	ssyncadd.s32 $0xFFFFC000  }
0x7d: {  	[spmem:s3] =	stream.indirect.scatter.add.f32 [tilespmem:s25], [sflag:$0x4], $0x80, s7, s29, $0xb8;
	[tilespmem:$0x1E800] =	vst v63  }
0x7e: {  	_ =	swait.ge [sflag:s26], $0x4000  }
0x7f: {  	[sflag:s26] =	ssyncset.done $0x0  }
0x80: {  	s24 =	simm.s32 $0x2200;
	[sflag:s26] =	ssyncadd.s32 $0xFFFFC000  }
0x81: {  	[tilespmem:s25], [sflag:$0x1] =	stream.indirect.gather [hbm4b:s0+s29], $0x80, s24, s29, $0xb8;
	[tilespmem:$0x1E800] =	vst v63  }
0x82: {  	_ =	swait.ge [sflag:s31], $0x4000  }
0x83: {  	[sflag:s31] =	ssyncset.done $0x0  }
0x84: {  	s7 =	simm.s32 $0x2180;
	[sflag:s31] =	ssyncadd.s32 $0xFFFFC000  }
0x85: {  	[spmem:s3] =	stream.indirect.scatter.add.f32 [tilespmem:s2], [sflag:$0x4], $0x80, s7, s29, $0xb8;
	[tilespmem:$0x1E800] =	vst v63  }
0x86: {  	_ =	swait.ge [sflag:s26], $0x4000  }
0x87: {  	[sflag:s26] =	ssyncset.done $0x0  }
0x88: {  	s24 =	simm.s32 $0x2300;
	[sflag:s26] =	ssyncadd.s32 $0xFFFFC000  }
0x89: {  	[tilespmem:s2], [sflag:$0x2] =	stream.indirect.gather [hbm4b:s0+s29], $0x80, s24, s29, $0xb8;
	[tilespmem:$0x1E800] =	vst v63  }
0x8a: {  	_ =	swait.ge [sflag:s30], $0x4000  }
0x8b: {  	[sflag:s30] =	ssyncset.done $0x0  }
0x8c: {  	s7 =	simm.s32 $0x2280;
	[sflag:s30] =	ssyncadd.s32 $0xFFFFC000  }
0x8d: {  	[spmem:s3] =	stream.indirect.scatter.add.f32 [tilespmem:s25], [sflag:$0x4], $0x80, s7, s29, $0xb8;
	[tilespmem:$0x1E800] =	vst v63  }
0x8e: {  	_ =	swait.ge [sflag:s26], $0x4000  }
0x8f: {  	[sflag:s26] =	ssyncset.done $0x0  }
0x90: {  	s24 =	simm.s32 $0x2400;
	[sflag:s26] =	ssyncadd.s32 $0xFFFFC000  }
0x91: {  	[tilespmem:s25], [sflag:$0x1] =	stream.indirect.gather [hbm4b:s0+s29], $0x80, s24, s29, $0xb8;
	[tilespmem:$0x1E800] =	vst v63  }
0x92: {  	_ =	swait.ge [sflag:s31], $0x4000  }
0x93: {  	[sflag:s31] =	ssyncset.done $0x0  }
0x94: {  	s7 =	simm.s32 $0x2380;
	[sflag:s31] =	ssyncadd.s32 $0xFFFFC000  }
0x95: {  	[spmem:s3] =	stream.indirect.scatter.add.f32 [tilespmem:s2], [sflag:$0x4], $0x80, s7, s29, $0xb8;
	[tilespmem:$0x1E800] =	vst v63  }
0x96: {  	_ =	swait.ge [sflag:s26], $0x4000  }
0x97: {  	[sflag:s26] =	ssyncset.done $0x0  }
0x98: {  	s24 =	simm.s32 $0x2500;
	[sflag:s26] =	ssyncadd.s32 $0xFFFFC000  }
0x99: {  	[tilespmem:s2], [sflag:$0x2] =	stream.indirect.gather [hbm4b:s0+s29], $0x80, s24, s29, $0xb8;
	[tilespmem:$0x1E800] =	vst v63  }
0x9a: {  	_ =	swait.ge [sflag:s30], $0x4000  }
0x9b: {  	[sflag:s30] =	ssyncset.done $0x0  }
0x9c: {  	s7 =	simm.s32 $0x2480;
	[sflag:s30] =	ssyncadd.s32 $0xFFFFC000  }
0x9d: {  	[spmem:s3] =	stream.indirect.scatter.add.f32 [tilespmem:s25], [sflag:$0x4], $0x80, s7, s29, $0xb8;
	[tilespmem:$0x1E800] =	vst v63  }
0x9e: {  	_ =	swait.ge [sflag:s26], $0x4000  }
0x9f: {  	[sflag:s26] =	ssyncset.done $0x0  }
0xa0: {  	s24 =	simm.s32 $0x2600;
	[sflag:s26] =	ssyncadd.s32 $0xFFFFC000  }
0xa1: {  	[tilespmem:s25], [sflag:$0x1] =	stream.indirect.gather [hbm4b:s0+s29], $0x80, s24, s29, $0xb8;
	[tilespmem:$0x1E800] =	vst v63  }
0xa2: {  	_ =	swait.ge [sflag:s31], $0x4000  }
0xa3: {  	[sflag:s31] =	ssyncset.done $0x0  }
0xa4: {  	s7 =	simm.s32 $0x2580;
	[sflag:s31] =	ssyncadd.s32 $0xFFFFC000  }
0xa5: {  	[spmem:s3] =	stream.indirect.scatter.add.f32 [tilespmem:s2], [sflag:$0x4], $0x80, s7, s29, $0xb8;
	[tilespmem:$0x1E800] =	vst v63  }
0xa6: {  	_ =	swait.ge [sflag:s26], $0x4000  }
0xa7: {  	[sflag:s26] =	ssyncset.done $0x0  }
0xa8: {  	s24 =	simm.s32 $0x2700;
	[sflag:s26] =	ssyncadd.s32 $0xFFFFC000  }
0xa9: {  	[tilespmem:s2], [sflag:$0x2] =	stream.indirect.gather [hbm4b:s0+s29], $0x80, s24, s29, $0xb8;
	[tilespmem:$0x1E800] =	vst v63  }
.LBB2_10:
0xaa: {  	_ =	swait.ge [sflag:s30], $0x4000  }
0xab: {  	[sflag:s30] =	ssyncset.done $0x0  }
0xac: {  	s1 =	simm.s32 $0x2680;
	[sflag:s30] =	ssyncadd.s32 $0xFFFFC000  }
0xad: {  	[spmem:s3] =	stream.indirect.scatter.add.f32 [tilespmem:s25], [sflag:$0x4], $0x80, s1, s29, $0xb8;
	[tilespmem:$0x1E800] =	vst v63  }
0xae: {  	_ =	swait.ge [sflag:s26], $0x4000  }
0xaf: {  	[sflag:s26] =	ssyncset.done $0x0  }
0xb0: {  	[sflag:s26] =	ssyncadd.s32 $0xFFFFC000  }
0xb1: {  	_ =	swait.ge [sflag:s31], $0x4000  }
0xb2: {  	[sflag:s31] =	ssyncset.done $0x0  }
0xb3: {  	s7 =	simm.s32 $0x2780;
	[sflag:s31] =	ssyncadd.s32 $0xFFFFC000  }
0xb4: {  	[spmem:s3] =	stream.indirect.scatter.add.f32 [tilespmem:s2], [sflag:$0x4], $0x80, s7, s29, $0xb8;
	[tilespmem:$0x1E800] =	vst v63  }
0xb5: {  	s24 =	stileid.u32;
	_ =	swait.ge [sflag:s26], $0x4000  }
0xb6: {  	s22 =	sadd.s32 $0x1, s22;
	s1 =	sshll.u32 s24, $0x6;
	[sflag:s26] =	ssyncset.done $0x0  }
0xb7: {  	p1 =	sne.s32 s22, s4;
	s1 =	sor.u32 $0x1C04, s1;
	[sflag:s26] =	ssyncadd.s32 $0xFFFFC000  }
.Ltmp1:
0xb8: {  	s7 =	sshrl.u32 s5, $0x3;
	[bflag:$0x0] =	sbarrier.arrive $0xFFFF;
	(pc) =	sbr.rel @!p1 .LBB2_11-.Ltmp1, $4  }
0xb9: {  	[hbm:s23], [sflag:s1] =	dma.local [spmem:s7], $0x2800  }
0xba: {  	_ =	swait.ge [sflag:s26], $0x2800  }
0xbb: {  	[sflag:s26] =	ssyncset.done $0x0  }
0xbc: {  	[sflag:s26] =	ssyncadd.s32 $0xFFFFD800  }
.LBB2_1:
0xbd: {  	s1 =	simm.s32 $0x0  }
0xbe: {  	[tilespmem:s1], [sflag:$0x3] =	stream.linear.gather [hbm4b:s6+s1], $0x2800, $0x38;
	[tilespmem:$0x1E800] =	vst v63  }
0xbf: {  	s7 =	simm.s32 $0x3C0;
	s1 =	simm.s32 $0x70  }
.LBB2_2:
0xc0: {  	p1 =	sne.s32 s7, $0x4FC0;
	[tilespmem:s1+$0x2800] =	vst v0  }
0xc1: {  	[tilespmem:s1+$0x2790] =	vst v0  }
0xc2: {  	[tilespmem:s1+$0x27A0] =	vst v0  }
.Ltmp2:
0xc3: {  	[tilespmem:s1+$0x27B0] =	vst v0;
	(pc) =	sbr.rel @p1 .LBB2_2-.Ltmp2, $4  }
0xc4: {  	[tilespmem:s1+$0x27C0] =	vst v0  }
0xc5: {  	[tilespmem:s1+$0x27D0] =	vst v0  }
0xc6: {  	[tilespmem:s1+$0x27E0] =	vst v0  }
0xc7: {  	[tilespmem:s1+$0x27F0] =	vst v0;
	s1 =	sshra.s32 s7, $0x2;
	s7 =	sadd.s32 $0x200, s7  }
0xc8: {  	[tilespmem:s1+$0x2800] =	vst v0  }
0xc9: {  	[tilespmem:s1+$0x2790] =	vst v0  }
0xca: {  	[tilespmem:s1+$0x27A0] =	vst v0  }
0xcb: {  	[tilespmem:s1+$0x27B0] =	vst v0  }
0xcc: {  	[tilespmem:s1+$0x27C0] =	vst v0  }
0xcd: {  	[tilespmem:s1+$0x27D0] =	vst v0  }
0xce: {  	[tilespmem:s1+$0x27E0] =	vst v0  }
0xcf: {  	[tilespmem:s1+$0x27F0] =	vst v0  }
0xd0: {  	[spmem:s5] =	stream.linear.scatter [tilespmem:s25], [sflag:$0x4], $0x1400, $0x38;
	[tilespmem:$0x1E800] =	vst v63  }
0xd1: {  	_ =	swait.ge [sflag:s26], $0x1400  }
0xd2: {  	[sflag:s26] =	ssyncset.done $0x0  }
0xd3: {  	[sflag:s26] =	ssyncadd.s32 $0xFFFFEC00  }
0xd4: {  	[spmem:s8] =	stream.linear.scatter [tilespmem:s25], [sflag:$0x4], $0x1400, $0x38;
	[tilespmem:$0x1E800] =	vst v63  }
0xd5: {  	_ =	swait.ge [sflag:s26], $0x1400  }
0xd6: {  	[sflag:s26] =	ssyncset.done $0x0  }
0xd7: {  	[sflag:s26] =	ssyncadd.s32 $0xFFFFEC00  }
0xd8: {  	[spmem:s9] =	stream.linear.scatter [tilespmem:s25], [sflag:$0x4], $0x1400, $0x38;
	[tilespmem:$0x1E800] =	vst v63  }
0xd9: {  	_ =	swait.ge [sflag:s26], $0x1400  }
0xda: {  	[sflag:s26] =	ssyncset.done $0x0  }
0xdb: {  	[sflag:s26] =	ssyncadd.s32 $0xFFFFEC00  }
0xdc: {  	[spmem:s10] =	stream.linear.scatter [tilespmem:s25], [sflag:$0x4], $0x1400, $0x38;
	[tilespmem:$0x1E800] =	vst v63  }
0xdd: {  	_ =	swait.ge [sflag:s26], $0x1400  }
0xde: {  	[sflag:s26] =	ssyncset.done $0x0  }
0xdf: {  	[sflag:s26] =	ssyncadd.s32 $0xFFFFEC00  }
0xe0: {  	[spmem:s11] =	stream.linear.scatter [tilespmem:s25], [sflag:$0x4], $0x1400, $0x38;
	[tilespmem:$0x1E800] =	vst v63  }
0xe1: {  	_ =	swait.ge [sflag:s26], $0x1400  }
0xe2: {  	[sflag:s26] =	ssyncset.done $0x0  }
0xe3: {  	[sflag:s26] =	ssyncadd.s32 $0xFFFFEC00  }
0xe4: {  	[spmem:s12] =	stream.linear.scatter [tilespmem:s25], [sflag:$0x4], $0x1400, $0x38;
	[tilespmem:$0x1E800] =	vst v63  }
0xe5: {  	_ =	swait.ge [sflag:s26], $0x1400  }
0xe6: {  	[sflag:s26] =	ssyncset.done $0x0  }
0xe7: {  	[sflag:s26] =	ssyncadd.s32 $0xFFFFEC00  }
0xe8: {  	[spmem:s13] =	stream.linear.scatter [tilespmem:s25], [sflag:$0x4], $0x1400, $0x38;
	[tilespmem:$0x1E800] =	vst v63  }
0xe9: {  	_ =	swait.ge [sflag:s26], $0x1400  }
0xea: {  	[sflag:s26] =	ssyncset.done $0x0  }
0xeb: {  	[sflag:s26] =	ssyncadd.s32 $0xFFFFEC00  }
0xec: {  	[spmem:s14] =	stream.linear.scatter [tilespmem:s25], [sflag:$0x4], $0x1400, $0x38;
	[tilespmem:$0x1E800] =	vst v63  }
0xed: {  	_ =	swait.ge [sflag:s26], $0x1400  }
0xee: {  	[sflag:s26] =	ssyncset.done $0x0  }
0xef: {  	[sflag:s26] =	ssyncadd.s32 $0xFFFFEC00  }
0xf0: {  	[spmem:s15] =	stream.linear.scatter [tilespmem:s25], [sflag:$0x4], $0x1400, $0x38;
	[tilespmem:$0x1E800] =	vst v63  }
0xf1: {  	_ =	swait.ge [sflag:s26], $0x1400  }
0xf2: {  	[sflag:s26] =	ssyncset.done $0x0  }
0xf3: {  	[sflag:s26] =	ssyncadd.s32 $0xFFFFEC00  }
0xf4: {  	[spmem:s16] =	stream.linear.scatter [tilespmem:s25], [sflag:$0x4], $0x1400, $0x38;
	[tilespmem:$0x1E800] =	vst v63  }
0xf5: {  	_ =	swait.ge [sflag:s26], $0x1400  }
0xf6: {  	[sflag:s26] =	ssyncset.done $0x0  }
0xf7: {  	[sflag:s26] =	ssyncadd.s32 $0xFFFFEC00  }
0xf8: {  	[spmem:s17] =	stream.linear.scatter [tilespmem:s25], [sflag:$0x4], $0x1400, $0x38;
	[tilespmem:$0x1E800] =	vst v63  }
0xf9: {  	_ =	swait.ge [sflag:s26], $0x1400  }
0xfa: {  	[sflag:s26] =	ssyncset.done $0x0  }
0xfb: {  	[sflag:s26] =	ssyncadd.s32 $0xFFFFEC00  }
0xfc: {  	[spmem:s18] =	stream.linear.scatter [tilespmem:s25], [sflag:$0x4], $0x1400, $0x38;
	[tilespmem:$0x1E800] =	vst v63  }
0xfd: {  	_ =	swait.ge [sflag:s26], $0x1400  }
0xfe: {  	[sflag:s26] =	ssyncset.done $0x0  }
0xff: {  	[sflag:s26] =	ssyncadd.s32 $0xFFFFEC00  }
0x100: {  	[spmem:s19] =	stream.linear.scatter [tilespmem:s25], [sflag:$0x4], $0x1400, $0x38;
	[tilespmem:$0x1E800] =	vst v63  }
0x101: {  	_ =	swait.ge [sflag:s26], $0x1400  }
0x102: {  	[sflag:s26] =	ssyncset.done $0x0  }
0x103: {  	[sflag:s26] =	ssyncadd.s32 $0xFFFFEC00  }
0x104: {  	[spmem:s20] =	stream.linear.scatter [tilespmem:s25], [sflag:$0x4], $0x1400, $0x38;
	[tilespmem:$0x1E800] =	vst v63  }
0x105: {  	_ =	swait.ge [sflag:s26], $0x1400  }
0x106: {  	[sflag:s26] =	ssyncset.done $0x0  }
0x107: {  	[sflag:s26] =	ssyncadd.s32 $0xFFFFEC00  }
0x108: {  	[spmem:s21] =	stream.linear.scatter [tilespmem:s25], [sflag:$0x4], $0x1400, $0x38;
	[tilespmem:$0x1E800] =	vst v63  }
0x109: {  	_ =	swait.ge [sflag:s26], $0x1400  }
0x10a: {  	[sflag:s26] =	ssyncset.done $0x0  }
0x10b: {  	s24 =	rddreg [dreg:$0x5];
	[sflag:s26] =	ssyncadd.s32 $0xFFFFEC00  }
0x10c: {  	[spmem:s24] =	stream.linear.scatter [tilespmem:s25], [sflag:$0x4], $0x1400, $0x38;
	[tilespmem:$0x1E800] =	vst v63  }
0x10d: {  	_ =	swait.ge [sflag:s26], $0x1400  }
0x10e: {  	[sflag:s26] =	ssyncset.done $0x0  }
0x10f: {  	[sflag:s26] =	ssyncadd.s32 $0xFFFFEC00  }
.Ltmp3:
0x110: {  	_ =	swait.ge [sflag:s28], $0x2800;
	(pc) =	sbr.rel @p0 .LBB2_9-.Ltmp3, $3  }
0x111: {  	[sflag:s28] =	ssyncset.done $0x0  }
0x112: {  	[sflag:s28] =	ssyncadd.s32 $0xFFFFD800  }
0x113: {  	[bflag:$0x0] =	sbarrier.arrive $0xFFFF;
	_ =	sdelay $0x1  }
0x114: {  	s24 =	smov.u32 s23  }
0x115: {  	s23 =	smov.u32 s6;
	s6 =	smov.u32 s21;
	s21 =	smov.u32 s20  }
0x116: {  	s20 =	smov.u32 s19;
	s19 =	smov.u32 s18;
	s18 =	smov.u32 s17  }
0x117: {  	s17 =	smov.u32 s16;
	s16 =	smov.u32 s15;
	s1 =	simm.s32 $0x0  }
0x118: {  	[tilespmem:s25], [sflag:$0x1] =	stream.indirect.gather [hbm4b:s0+s29], $0x80, s1, s29, $0xb8;
	[tilespmem:$0x1E800] =	vst v63  }
0x119: {  	s15 =	smov.u32 s14;
	s14 =	smov.u32 s13;
	s7 =	simm.s32 $0x100  }
0x11a: {  	[tilespmem:s2], [sflag:$0x2] =	stream.indirect.gather [hbm4b:s0+s29], $0x80, s7, s29, $0xb8;
	[tilespmem:$0x1E800] =	vst v63  }
0x11b: {  	s13 =	smov.u32 s12;
	s12 =	smov.u32 s11;
	_ =	swait.ge [sflag:s30], $0x4000  }
0x11c: {  	s11 =	smov.u32 s10;
	s10 =	smov.u32 s9;
	[sflag:s30] =	ssyncset.done $0x0  }
0x11d: {  	s9 =	smov.u32 s8;
	s8 =	simm.s32 $0x80;
	[sflag:s30] =	ssyncadd.s32 $0xFFFFC000  }
0x11e: {  	[spmem:s3] =	stream.indirect.scatter.add.f32 [tilespmem:s25], [sflag:$0x4], $0x80, s8, s29, $0xb8;
	[tilespmem:$0x1E800] =	vst v63  }
0x11f: {  	_ =	swait.ge [sflag:s26], $0x4000  }
0x120: {  	[sflag:s26] =	ssyncset.done $0x0  }
0x121: {  	s7 =	simm.s32 $0x200;
	[sflag:s26] =	ssyncadd.s32 $0xFFFFC000  }
0x122: {  	[tilespmem:s25], [sflag:$0x1] =	stream.indirect.gather [hbm4b:s0+s29], $0x80, s7, s29, $0xb8;
	[tilespmem:$0x1E800] =	vst v63  }
0x123: {  	_ =	swait.ge [sflag:s31], $0x4000  }
0x124: {  	[sflag:s31] =	ssyncset.done $0x0  }
0x125: {  	s8 =	simm.s32 $0x180;
	[sflag:s31] =	ssyncadd.s32 $0xFFFFC000  }
0x126: {  	[spmem:s3] =	stream.indirect.scatter.add.f32 [tilespmem:s2], [sflag:$0x4], $0x80, s8, s29, $0xb8;
	[tilespmem:$0x1E800] =	vst v63  }
0x127: {  	_ =	swait.ge [sflag:s26], $0x4000  }
0x128: {  	[sflag:s26] =	ssyncset.done $0x0  }
0x129: {  	s1 =	simm.s32 $0xFFFF7000;
	s7 =	simm.s32 $0x300;
	[sflag:s26] =	ssyncadd.s32 $0xFFFFC000  }
.LBB2_5:
0x12a: {  	[tilespmem:s2], [sflag:$0x2] =	stream.indirect.gather [hbm4b:s0+s29], $0x80, s7, s29, $0xb8;
	[tilespmem:$0x1E800] =	vst v63  }
0x12b: {  	s7 =	smov.u32 s1  }
0x12c: {  	p1 =	sne.s32 s1, $0xFFFFF800;
	s1 =	sadd.s32 $0x800, s1;
	_ =	swait.ge [sflag:s30], $0x4000  }
0x12d: {  	s7 =	sshra.s32 s7, $0x2;
	[sflag:s30] =	ssyncset.done $0x0  }
0x12e: {  	s8 =	sadd.s32 $0x2680, s7;
	[sflag:s30] =	ssyncadd.s32 $0xFFFFC000  }
0x12f: {  	[spmem:s3] =	stream.indirect.scatter.add.f32 [tilespmem:s25], [sflag:$0x4], $0x80, s8, s29, $0xb8;
	[tilespmem:$0x1E800] =	vst v63  }
0x130: {  	_ =	swait.ge [sflag:s26], $0x4000  }
0x131: {  	[sflag:s26] =	ssyncset.done $0x0  }
0x132: {  	s8 =	sadd.s32 $0x2800, s7;
	[sflag:s26] =	ssyncadd.s32 $0xFFFFC000  }
0x133: {  	[tilespmem:s25], [sflag:$0x1] =	stream.indirect.gather [hbm4b:s0+s29], $0x80, s8, s29, $0xb8;
	[tilespmem:$0x1E800] =	vst v63  }
0x134: {  	_ =	swait.ge [sflag:s31], $0x4000  }
0x135: {  	[sflag:s31] =	ssyncset.done $0x0  }
.Ltmp4:
0x136: {  	s8 =	sadd.s32 $0x2780, s7;
	[sflag:s31] =	ssyncadd.s32 $0xFFFFC000;
	(pc) =	sbr.rel @p1 .LBB2_5-.Ltmp4, $4  }
0x137: {  	[spmem:s3] =	stream.indirect.scatter.add.f32 [tilespmem:s2], [sflag:$0x4], $0x80, s8, s29, $0xb8;
	[tilespmem:$0x1E800] =	vst v63  }
0x138: {  	_ =	swait.ge [sflag:s26], $0x4000  }
0x139: {  	[sflag:s26] =	ssyncset.done $0x0  }
0x13a: {  	s7 =	sadd.s32 $0x2900, s7;
	[sflag:s26] =	ssyncadd.s32 $0xFFFFC000  }
0x13b: {  	[tilespmem:s2], [sflag:$0x2] =	stream.indirect.gather [hbm4b:s0+s29], $0x80, s7, s29, $0xb8;
	[tilespmem:$0x1E800] =	vst v63  }
0x13c: {  	_ =	swait.ge [sflag:s30], $0x4000  }
0x13d: {  	[sflag:s30] =	ssyncset.done $0x0  }
0x13e: {  	s1 =	simm.s32 $0x2680;
	[sflag:s30] =	ssyncadd.s32 $0xFFFFC000  }
0x13f: {  	[spmem:s3] =	stream.indirect.scatter.add.f32 [tilespmem:s25], [sflag:$0x4], $0x80, s1, s29, $0xb8;
	[tilespmem:$0x1E800] =	vst v63  }
0x140: {  	_ =	swait.ge [sflag:s26], $0x4000  }
0x141: {  	[sflag:s26] =	ssyncset.done $0x0  }
0x142: {  	[sflag:s26] =	ssyncadd.s32 $0xFFFFC000  }
0x143: {  	_ =	swait.ge [sflag:s31], $0x4000  }
0x144: {  	[sflag:s31] =	ssyncset.done $0x0  }
0x145: {  	s8 =	simm.s32 $0x2780;
	[sflag:s31] =	ssyncadd.s32 $0xFFFFC000  }
0x146: {  	[spmem:s3] =	stream.indirect.scatter.add.f32 [tilespmem:s2], [sflag:$0x4], $0x80, s8, s29, $0xb8;
	[tilespmem:$0x1E800] =	vst v63  }
0x147: {  	_ =	swait.ge [sflag:s26], $0x4000  }
0x148: {  	[sflag:s26] =	ssyncset.done $0x0  }
0x149: {  	s8 =	simm.s32 $0x0;
	s7 =	rddreg [dreg:$0x6];
	[sflag:s26] =	ssyncadd.s32 $0xFFFFC000  }
0x14a: {  	[tilespmem:s8], [sflag:$0x3] =	stream.linear.gather [hbm4b:s7+s8], $0x2800, $0x38;
	[tilespmem:$0x1E800] =	vst v63  }
0x14b: {  	_ =	swait.ge [sflag:s28], $0x2800  }
0x14c: {  	[sflag:s28] =	ssyncset.done $0x0  }
0x14d: {  	[sflag:s28] =	ssyncadd.s32 $0xFFFFD800  }
0x14e: {  	[tilespmem:s25], [sflag:$0x1] =	stream.indirect.gather [hbm4b:s0+s29], $0x80, s8, s29, $0xb8;
	[tilespmem:$0x1E800] =	vst v63  }
0x14f: {  	s7 =	simm.s32 $0x100  }
0x150: {  	[tilespmem:s2], [sflag:$0x2] =	stream.indirect.gather [hbm4b:s0+s29], $0x80, s7, s29, $0xb8;
	[tilespmem:$0x1E800] =	vst v63  }
0x151: {  	_ =	swait.ge [sflag:s30], $0x4000  }
0x152: {  	[sflag:s30] =	ssyncset.done $0x0  }
0x153: {  	s8 =	simm.s32 $0x80;
	[sflag:s30] =	ssyncadd.s32 $0xFFFFC000  }
0x154: {  	[spmem:s3] =	stream.indirect.scatter.add.f32 [tilespmem:s25], [sflag:$0x4], $0x80, s8, s29, $0xb8;
	[tilespmem:$0x1E800] =	vst v63  }
0x155: {  	_ =	swait.ge [sflag:s26], $0x4000  }
0x156: {  	[sflag:s26] =	ssyncset.done $0x0  }
0x157: {  	s7 =	simm.s32 $0x200;
	[sflag:s26] =	ssyncadd.s32 $0xFFFFC000  }
0x158: {  	[tilespmem:s25], [sflag:$0x1] =	stream.indirect.gather [hbm4b:s0+s29], $0x80, s7, s29, $0xb8;
	[tilespmem:$0x1E800] =	vst v63  }
0x159: {  	_ =	swait.ge [sflag:s31], $0x4000  }
0x15a: {  	[sflag:s31] =	ssyncset.done $0x0  }
0x15b: {  	s8 =	simm.s32 $0x180;
	[sflag:s31] =	ssyncadd.s32 $0xFFFFC000  }
0x15c: {  	[spmem:s3] =	stream.indirect.scatter.add.f32 [tilespmem:s2], [sflag:$0x4], $0x80, s8, s29, $0xb8;
	[tilespmem:$0x1E800] =	vst v63  }
0x15d: {  	_ =	swait.ge [sflag:s26], $0x4000  }
0x15e: {  	[sflag:s26] =	ssyncset.done $0x0  }
0x15f: {  	s1 =	simm.s32 $0xFFFF7000;
	s7 =	simm.s32 $0x300;
	[sflag:s26] =	ssyncadd.s32 $0xFFFFC000  }
.LBB2_7:
0x160: {  	[tilespmem:s2], [sflag:$0x2] =	stream.indirect.gather [hbm4b:s0+s29], $0x80, s7, s29, $0xb8;
	[tilespmem:$0x1E800] =	vst v63  }
0x161: {  	s7 =	smov.u32 s1  }
0x162: {  	p1 =	seq.s32 s1, $0xFFFFF800;
	s1 =	sadd.s32 $0x800, s1;
	_ =	swait.ge [sflag:s30], $0x4000  }
0x163: {  	s7 =	sshra.s32 s7, $0x2;
	[sflag:s30] =	ssyncset.done $0x0  }
0x164: {  	s8 =	sadd.s32 $0x2680, s7;
	[sflag:s30] =	ssyncadd.s32 $0xFFFFC000  }
0x165: {  	[spmem:s3] =	stream.indirect.scatter.add.f32 [tilespmem:s25], [sflag:$0x4], $0x80, s8, s29, $0xb8;
	[tilespmem:$0x1E800] =	vst v63  }
0x166: {  	_ =	swait.ge [sflag:s26], $0x4000  }
0x167: {  	[sflag:s26] =	ssyncset.done $0x0  }
0x168: {  	s8 =	sadd.s32 $0x2800, s7;
	[sflag:s26] =	ssyncadd.s32 $0xFFFFC000  }
0x169: {  	[tilespmem:s25], [sflag:$0x1] =	stream.indirect.gather [hbm4b:s0+s29], $0x80, s8, s29, $0xb8;
	[tilespmem:$0x1E800] =	vst v63  }
0x16a: {  	_ =	swait.ge [sflag:s31], $0x4000  }
0x16b: {  	[sflag:s31] =	ssyncset.done $0x0  }
.Ltmp5:
0x16c: {  	s8 =	sadd.s32 $0x2780, s7;
	[sflag:s31] =	ssyncadd.s32 $0xFFFFC000;
	(pc) =	sbr.rel @!p1 .LBB2_7-.Ltmp5, $4  }
0x16d: {  	[spmem:s3] =	stream.indirect.scatter.add.f32 [tilespmem:s2], [sflag:$0x4], $0x80, s8, s29, $0xb8;
	[tilespmem:$0x1E800] =	vst v63  }
0x16e: {  	_ =	swait.ge [sflag:s26], $0x4000  }
0x16f: {  	[sflag:s26] =	ssyncset.done $0x0  }
0x170: {  	s7 =	sadd.s32 $0x2900, s7;
	[sflag:s26] =	ssyncadd.s32 $0xFFFFC000  }
0x171: {  	[tilespmem:s2], [sflag:$0x2] =	stream.indirect.gather [hbm4b:s0+s29], $0x80, s7, s29, $0xb8;
	[tilespmem:$0x1E800] =	vst v63  }
0x172: {  	s8 =	smov.u32 s9;
	s9 =	smov.u32 s10  }
.Ltmp6:
0x173: {  	s10 =	smov.u32 s11;
	s11 =	smov.u32 s12;
	(pc) =	sbr.rel .LBB2_10-.Ltmp6, $4  }
0x174: {  	s12 =	smov.u32 s13;
	s13 =	smov.u32 s14;
	s14 =	smov.u32 s15  }
0x175: {  	s15 =	smov.u32 s16;
	s16 =	smov.u32 s17;
	s17 =	smov.u32 s18  }
0x176: {  	s18 =	smov.u32 s19;
	s19 =	smov.u32 s20;
	s20 =	smov.u32 s21  }
0x177: {  	s21 =	smov.u32 s6;
	s6 =	smov.u32 s23;
	s23 =	smov.u32 s24  }
.LBB2_11:
0x178: {  	_ =	sfence.sel $0x180000  }
0x179: {  	[bflag:$0x0] =	sbarrier.arrive $0xFFFF  }
0x17a: {  	_ =	strace $0x90000047  }
0x17b: {  	s0 =	stileid.u32;
	[bflag:$0x2] =	sbarrier.arrive $0xFFFF  }
0x17c: {  	p0 =	sne.s32 s0, $0x0;
	s0 =	rddreg [dreg:$0x4]  }
0x17d: {  	s0 =	sadd.s32 @!p0 $0x100000, s0  }
0x17e: {  	[sflag:s0] =	ssyncadd.tile.s32 @!p0 $0x1;
	_ =	shalt  }
.Lfunc_end2:
_tile_overlayer_lowered:
.L_overlay_start_2:
0x17f: {  	(tag) =	ssettag $0x2  }
0x180: {  	s0 =	rddreg [dreg:$0x0];
	s2 =	stileid.u32  }
0x181: {  	s1 =	rddreg [dreg:$0x1];
	p0 =	sne.s32 s2, $0x0  }
0x182: {  	s3 =	rddreg [dreg:$0x2];
	[bflag:$0x3] =	sbarrier.arrive $0xFFFF;
	s2 =	simm.s32 @!p0 $0x1C04  }
0x183: {  	[timem:s3], [sflag:s2] =	dma.local @!p0 [hbm:s0], s1  }
0x184: {  	s0 =	simm.s32 @!p0 $0x4  }
0x185: {  	_ =	swait.ge @!p0 [sflag:s0], s1  }
0x186: {  	s1 =	ssub.s32 @!p0 $0x0, s1;
	[sflag:s0] =	ssyncset.done @!p0 $0x0  }
0x187: {  	[sflag:s0] =	ssyncadd.s32 @!p0 s1  }
0x188: {  	[bflag:$0x3] =	sbarrier.arrive $0xFFFF  }
0x189: {  	_ =	shalt  }

</sc_bundles>
